<compile_context>
chip_gen: v7x
topology: tpu7x:2x2x1
jax: 0.10.2.dev20260603
libtpu: 0.0.44.dev20260713+nightly
codegen_flags: <defaults>
</compile_context>

<pallas_src>
import functools

import jax
import jax.numpy as jnp
from jax import lax
from jax.experimental import pallas as pl
from jax.experimental.pallas import tpu as pltpu
from jax.experimental.pallas import tpu_sc as plsc

_CHUNK = 128
_NBUF = 8


def _build_lookup(NW, NCHUNK, CHUNK, V, D, NC):
    N = NW * NCHUNK * CHUNK
    mesh = plsc.VectorSubcoreMesh(core_axis_name="c", subcore_axis_name="s")

    @functools.partial(
        pl.kernel,
        out_type=jax.ShapeDtypeStruct((N, D), jnp.float32),
        mesh=mesh,
        scratch_types=[
            pltpu.VMEM((NCHUNK, CHUNK), jnp.int32),
            pltpu.VMEM((_NBUF, CHUNK, D), jnp.float32),
            pltpu.SemaphoreType.DMA((_NBUF,)),
            pltpu.SemaphoreType.DMA((_NBUF,)),
        ],
        compiler_params=pltpu.CompilerParams(use_tc_tiling_on_sc=False),
    )
    def emb_kernel(table_hbm, idx_hbm, out_hbm, idx_v, rows_v, gsem, osem):
        wid = lax.axis_index("s") * NC + lax.axis_index("c")
        base = wid * (NCHUNK * CHUNK)
        pltpu.sync_copy(idx_hbm.at[wid], idx_v)

        @pl.loop(0, NCHUNK, step=_NBUF)
        def _chunk_group(c0):
            gathers = [
                pltpu.async_copy(
                    table_hbm.at[idx_v.at[c0 + b]], rows_v.at[b], gsem.at[b]
                )
                for b in range(_NBUF)
            ]
            writes = []
            for b in range(_NBUF):
                gathers[b].wait()
                writes.append(
                    pltpu.async_copy(
                        rows_v.at[b],
                        out_hbm.at[pl.ds(base + (c0 + b) * CHUNK, CHUNK)],
                        osem.at[b],
                    )
                )
            for w in writes:
                w.wait()

    return emb_kernel


def kernel(sentence, table):
    B, S = sentence.shape
    V, D = table.shape
    N = B * S

    info = plsc.get_sparse_core_info()
    NC, NS = info.num_cores, info.num_subcores
    NW = NC * NS
    assert N % (NW * _CHUNK) == 0
    NCHUNK = N // (NW * _CHUNK)
    assert NCHUNK % _NBUF == 0

    idx = sentence.reshape(NW, NCHUNK, _CHUNK).astype(jnp.int32)
    out = _build_lookup(NW, NCHUNK, _CHUNK, V, D, NC)(table, idx)
    return out.reshape(B, S, D)

# --- scband reference (transcript-rebuilt; emitter-appended) ---
"""Pipeline reference for scband-embedding-layer-3083786518981 (READ-ONLY COPY).

The authoritative reference and input builder live on the scoring server;
editing this copy changes nothing except your own understanding.
"""

import jax, jax.numpy as jnp
import numpy as np

VOCAB = 1000000
EMBED_DIM = 64
BATCH = 4096
SEQ = 200

def setup_inputs(seed: int = 0) -> dict:
    key = jax.random.key(seed)
    k_idx, k_tab = jax.random.split(key)
    sentence = jax.random.randint(k_idx, (BATCH, SEQ), 0, VOCAB, dtype=jnp.int64 if jax.config.jax_enable_x64 else jnp.int32)
    table = jax.random.normal(k_tab, (VOCAB, EMBED_DIM), dtype=jnp.float32) * 0.02
    return {"sentence": sentence, "table": table}

def reference(sentence, table):
    # nn.Embedding lookup: emb = embedding(sentence)
    emb = jnp.take(table, sentence, axis=0)
    return emb

if __name__ == "__main__":
    import jax
    _d = setup_inputs()
    print(jax.jit(kernel)(*tuple(_d.values())))

</pallas_src>

<mosaic_0001>
#map = affine_map<(d0, d1) -> (0, 0)>
#map1 = affine_map<(d0, d1) -> (0, 0, 0)>
module attributes {stable_mosaic.version = 14 : i64} {
  func.func @emb_kernel(%arg0: i32, %arg1: i32, %arg2: memref<1000000x64xf32, #tpu.memory_space<hbm>>, %arg3: memref<32x200x128xi32, #tpu.memory_space<hbm>>, %arg4: memref<819200x64xf32, #tpu.memory_space<hbm>>, %arg5: memref<200x128xi32, #tpu.memory_space<vmem>>, %arg6: memref<8x128x64xf32, #tpu.memory_space<vmem>>, %arg7: memref<8x!tpu.dma_semaphore, #tpu.memory_space<semaphore_mem>>, %arg8: memref<8x!tpu.dma_semaphore, #tpu.memory_space<semaphore_mem>>) attributes {dimension_semantics = [#tpu.dimension_semantics<core_parallel>, #tpu.dimension_semantics<subcore_parallel>], iteration_bounds = array<i64: 2, 16>, scalar_prefetch = 0 : i64, scratch_operands = 4 : i64, tpu.core_type = #tpu.core_type<sc_vector_subcore>, window_params = [{transform_indices = #map}, {transform_indices = #map1}, {transform_indices = #map}]} {
    %mul3A = arith.constant 2 : i32
    %mul3A_0 = arith.muli %arg1, %mul3A : i32
    %add3A = arith.addi %mul3A_0, %arg0 : i32
    %mul3A_1 = arith.constant 25600 : i32
    %mul3A_2 = arith.muli %add3A, %mul3A_1 : i32
    "tpu.region"() ({
      %run_scoped3A = tpu.sem_alloc : memref<!tpu.dma_semaphore, #tpu.memory_space<semaphore_mem>>
      %dma_start3A = arith.constant 0 : i32
      %dma_start3A_7 = arith.constant 0 : i32
      %dma_start3A_8 = tpu.memref_slice %arg3[%add3A, %dma_start3A, %dma_start3A_7] : memref<32x200x128xi32, #tpu.memory_space<hbm>> -> memref<1x200x128xi32, #tpu.memory_space<hbm>>
      %dma_start3A_9 = tpu.memref_squeeze %dma_start3A_8 : memref<1x200x128xi32, #tpu.memory_space<hbm>> -> memref<200x128xi32, #tpu.memory_space<hbm>>
      %dma_start3A_10 = arith.constant 0 : i32
      %dma_start3A_11 = arith.constant 0 : i32
      %dma_start3A_12 = tpu.memref_slice %arg3[%add3A, %dma_start3A_10, %dma_start3A_11] : memref<32x200x128xi32, #tpu.memory_space<hbm>> -> memref<1x200x128xi32, #tpu.memory_space<hbm>>
      %dma_start3A_13 = tpu.memref_squeeze %dma_start3A_12 : memref<1x200x128xi32, #tpu.memory_space<hbm>> -> memref<200x128xi32, #tpu.memory_space<hbm>>
      tpu.enqueue_dma source(%dma_start3A_13 : memref<200x128xi32, #tpu.memory_space<hbm>>) target(%arg5 : memref<200x128xi32, #tpu.memory_space<vmem>>) target_semaphore(%run_scoped3A : memref<!tpu.dma_semaphore, #tpu.memory_space<semaphore_mem>>)
      %dma_wait3A = arith.constant 0 : i32
      %dma_wait3A_14 = arith.constant 0 : i32
      %dma_wait3A_15 = tpu.memref_slice %arg3[%add3A, %dma_wait3A, %dma_wait3A_14] : memref<32x200x128xi32, #tpu.memory_space<hbm>> -> memref<1x200x128xi32, #tpu.memory_space<hbm>>
      %dma_wait3A_16 = tpu.memref_squeeze %dma_wait3A_15 : memref<1x200x128xi32, #tpu.memory_space<hbm>> -> memref<200x128xi32, #tpu.memory_space<hbm>>
      %dma_wait3A_17 = arith.constant 0 : i32
      %dma_wait3A_18 = arith.constant 0 : i32
      %dma_wait3A_19 = tpu.memref_slice %arg3[%add3A, %dma_wait3A_17, %dma_wait3A_18] : memref<32x200x128xi32, #tpu.memory_space<hbm>> -> memref<1x200x128xi32, #tpu.memory_space<hbm>>
      %dma_wait3A_20 = tpu.memref_squeeze %dma_wait3A_19 : memref<1x200x128xi32, #tpu.memory_space<hbm>> -> memref<200x128xi32, #tpu.memory_space<hbm>>
      tpu.wait_dma2 semaphore(%run_scoped3A : memref<!tpu.dma_semaphore, #tpu.memory_space<semaphore_mem>>) src(%dma_wait3A_20 : memref<200x128xi32, #tpu.memory_space<hbm>>) dst(%arg5 : memref<200x128xi32, #tpu.memory_space<vmem>>)
      tpu.yield
    }) : () -> ()
    %scan3A = arith.constant 0 : i32
    %scan3A_3 = arith.constant 25 : i32
    %scan3A_4 = arith.addi %scan3A, %scan3A_3 : i32
    %scan3A_5 = arith.constant 1 : i32
    scf.for %scan3A_7 = %scan3A to %scan3A_4 step %scan3A_5  : i32 {
      %mul3A_8 = arith.constant 8 : i32
      %mul3A_9 = arith.muli %scan3A_7, %mul3A_8 : i32
      %add3A_10 = arith.constant 0 : i32
      %add3A_11 = arith.addi %add3A_10, %mul3A_9 : i32
      %add3A_12 = arith.constant 0 : i32
      %add3A_13 = arith.addi %add3A_11, %add3A_12 : i32
      %dma_start3A = arith.constant 0 : i32
      %dma_start3A_14 = arith.constant 0 : i32
      %dma_start3A_15 = arith.constant 0 : i32
      %dma_start3A_16 = arith.constant 0 : i32
      %dma_start3A_17 = tpu.memref_slice %arg6[%dma_start3A, %dma_start3A_15, %dma_start3A_16] : memref<8x128x64xf32, #tpu.memory_space<vmem>> -> memref<1x128x64xf32, #tpu.memory_space<vmem>>
      %dma_start3A_18 = tpu.memref_squeeze %dma_start3A_17 : memref<1x128x64xf32, #tpu.memory_space<vmem>> -> memref<128x64xf32, #tpu.memory_space<vmem>>
      %dma_start3A_19 = arith.constant 0 : i32
      %dma_start3A_20 = tpu.memref_slice %arg5[%add3A_13, %dma_start3A_19] : memref<200x128xi32, #tpu.memory_space<vmem>> -> memref<1x128xi32, #tpu.memory_space<vmem>>
      %dma_start3A_21 = tpu.memref_squeeze %dma_start3A_20 : memref<1x128xi32, #tpu.memory_space<vmem>> -> memref<128xi32, #tpu.memory_space<vmem>>
      %dma_start3A_22 = arith.constant 0 : i32
      %dma_start3A_23 = arith.constant 0 : i32
      %dma_start3A_24 = tpu.memref_slice %arg2[%dma_start3A_22, %dma_start3A_23] : memref<1000000x64xf32, #tpu.memory_space<hbm>> -> memref<1000000x64xf32, #tpu.memory_space<hbm>>
      %dma_start3A_25 = tpu.memref_slice %arg7[%dma_start3A_14] : memref<8x!tpu.dma_semaphore, #tpu.memory_space<semaphore_mem>> -> memref<1x!tpu.dma_semaphore, #tpu.memory_space<semaphore_mem>>
      %dma_start3A_26 = tpu.memref_squeeze %dma_start3A_25 : memref<1x!tpu.dma_semaphore, #tpu.memory_space<semaphore_mem>> -> memref<!tpu.dma_semaphore, #tpu.memory_space<semaphore_mem>>
      tpu.enqueue_indirect_dma source(%dma_start3A_24 : memref<1000000x64xf32, #tpu.memory_space<hbm>>) target(%dma_start3A_18 : memref<128x64xf32, #tpu.memory_space<vmem>>) offsets(%dma_start3A_21 : memref<128xi32, #tpu.memory_space<vmem>>) semaphore(%dma_start3A_26 : memref<!tpu.dma_semaphore, #tpu.memory_space<semaphore_mem>>)
      %add3A_27 = arith.constant 1 : i32
      %add3A_28 = arith.addi %add3A_11, %add3A_27 : i32
      %dma_start3A_29 = arith.constant 1 : i32
      %dma_start3A_30 = arith.constant 1 : i32
      %dma_start3A_31 = arith.constant 0 : i32
      %dma_start3A_32 = arith.constant 0 : i32
      %dma_start3A_33 = tpu.memref_slice %arg6[%dma_start3A_29, %dma_start3A_31, %dma_start3A_32] : memref<8x128x64xf32, #tpu.memory_space<vmem>> -> memref<1x128x64xf32, #tpu.memory_space<vmem>>
      %dma_start3A_34 = tpu.memref_squeeze %dma_start3A_33 : memref<1x128x64xf32, #tpu.memory_space<vmem>> -> memref<128x64xf32, #tpu.memory_space<vmem>>
      %dma_start3A_35 = arith.constant 0 : i32
      %dma_start3A_36 = tpu.memref_slice %arg5[%add3A_28, %dma_start3A_35] : memref<200x128xi32, #tpu.memory_space<vmem>> -> memref<1x128xi32, #tpu.memory_space<vmem>>
      %dma_start3A_37 = tpu.memref_squeeze %dma_start3A_36 : memref<1x128xi32, #tpu.memory_space<vmem>> -> memref<128xi32, #tpu.memory_space<vmem>>
      %dma_start3A_38 = arith.constant 0 : i32
      %dma_start3A_39 = arith.constant 0 : i32
      %dma_start3A_40 = tpu.memref_slice %arg2[%dma_start3A_38, %dma_start3A_39] : memref<1000000x64xf32, #tpu.memory_space<hbm>> -> memref<1000000x64xf32, #tpu.memory_space<hbm>>
      %dma_start3A_41 = tpu.memref_slice %arg7[%dma_start3A_30] : memref<8x!tpu.dma_semaphore, #tpu.memory_space<semaphore_mem>> -> memref<1x!tpu.dma_semaphore, #tpu.memory_space<semaphore_mem>>
      %dma_start3A_42 = tpu.memref_squeeze %dma_start3A_41 : memref<1x!tpu.dma_semaphore, #tpu.memory_space<semaphore_mem>> -> memref<!tpu.dma_semaphore, #tpu.memory_space<semaphore_mem>>
      tpu.enqueue_indirect_dma source(%dma_start3A_40 : memref<1000000x64xf32, #tpu.memory_space<hbm>>) target(%dma_start3A_34 : memref<128x64xf32, #tpu.memory_space<vmem>>) offsets(%dma_start3A_37 : memref<128xi32, #tpu.memory_space<vmem>>) semaphore(%dma_start3A_42 : memref<!tpu.dma_semaphore, #tpu.memory_space<semaphore_mem>>)
      %add3A_43 = arith.constant 2 : i32
      %add3A_44 = arith.addi %add3A_11, %add3A_43 : i32
      %dma_start3A_45 = arith.constant 2 : i32
      %dma_start3A_46 = arith.constant 2 : i32
      %dma_start3A_47 = arith.constant 0 : i32
      %dma_start3A_48 = arith.constant 0 : i32
      %dma_start3A_49 = tpu.memref_slice %arg6[%dma_start3A_45, %dma_start3A_47, %dma_start3A_48] : memref<8x128x64xf32, #tpu.memory_space<vmem>> -> memref<1x128x64xf32, #tpu.memory_space<vmem>>
      %dma_start3A_50 = tpu.memref_squeeze %dma_start3A_49 : memref<1x128x64xf32, #tpu.memory_space<vmem>> -> memref<128x64xf32, #tpu.memory_space<vmem>>
      %dma_start3A_51 = arith.constant 0 : i32
      %dma_start3A_52 = tpu.memref_slice %arg5[%add3A_44, %dma_start3A_51] : memref<200x128xi32, #tpu.memory_space<vmem>> -> memref<1x128xi32, #tpu.memory_space<vmem>>
      %dma_start3A_53 = tpu.memref_squeeze %dma_start3A_52 : memref<1x128xi32, #tpu.memory_space<vmem>> -> memref<128xi32, #tpu.memory_space<vmem>>
      %dma_start3A_54 = arith.constant 0 : i32
      %dma_start3A_55 = arith.constant 0 : i32
      %dma_start3A_56 = tpu.memref_slice %arg2[%dma_start3A_54, %dma_start3A_55] : memref<1000000x64xf32, #tpu.memory_space<hbm>> -> memref<1000000x64xf32, #tpu.memory_space<hbm>>
      %dma_start3A_57 = tpu.memref_slice %arg7[%dma_start3A_46] : memref<8x!tpu.dma_semaphore, #tpu.memory_space<semaphore_mem>> -> memref<1x!tpu.dma_semaphore, #tpu.memory_space<semaphore_mem>>
      %dma_start3A_58 = tpu.memref_squeeze %dma_start3A_57 : memref<1x!tpu.dma_semaphore, #tpu.memory_space<semaphore_mem>> -> memref<!tpu.dma_semaphore, #tpu.memory_space<semaphore_mem>>
      tpu.enqueue_indirect_dma source(%dma_start3A_56 : memref<1000000x64xf32, #tpu.memory_space<hbm>>) target(%dma_start3A_50 : memref<128x64xf32, #tpu.memory_space<vmem>>) offsets(%dma_start3A_53 : memref<128xi32, #tpu.memory_space<vmem>>) semaphore(%dma_start3A_58 : memref<!tpu.dma_semaphore, #tpu.memory_space<semaphore_mem>>)
      %add3A_59 = arith.constant 3 : i32
      %add3A_60 = arith.addi %add3A_11, %add3A_59 : i32
      %dma_start3A_61 = arith.constant 3 : i32
      %dma_start3A_62 = arith.constant 3 : i32
      %dma_start3A_63 = arith.constant 0 : i32
      %dma_start3A_64 = arith.constant 0 : i32
      %dma_start3A_65 = tpu.memref_slice %arg6[%dma_start3A_61, %dma_start3A_63, %dma_start3A_64] : memref<8x128x64xf32, #tpu.memory_space<vmem>> -> memref<1x128x64xf32, #tpu.memory_space<vmem>>
      %dma_start3A_66 = tpu.memref_squeeze %dma_start3A_65 : memref<1x128x64xf32, #tpu.memory_space<vmem>> -> memref<128x64xf32, #tpu.memory_space<vmem>>
      %dma_start3A_67 = arith.constant 0 : i32
      %dma_start3A_68 = tpu.memref_slice %arg5[%add3A_60, %dma_start3A_67] : memref<200x128xi32, #tpu.memory_space<vmem>> -> memref<1x128xi32, #tpu.memory_space<vmem>>
      %dma_start3A_69 = tpu.memref_squeeze %dma_start3A_68 : memref<1x128xi32, #tpu.memory_space<vmem>> -> memref<128xi32, #tpu.memory_space<vmem>>
      %dma_start3A_70 = arith.constant 0 : i32
      %dma_start3A_71 = arith.constant 0 : i32
      %dma_start3A_72 = tpu.memref_slice %arg2[%dma_start3A_70, %dma_start3A_71] : memref<1000000x64xf32, #tpu.memory_space<hbm>> -> memref<1000000x64xf32, #tpu.memory_space<hbm>>
      %dma_start3A_73 = tpu.memref_slice %arg7[%dma_start3A_62] : memref<8x!tpu.dma_semaphore, #tpu.memory_space<semaphore_mem>> -> memref<1x!tpu.dma_semaphore, #tpu.memory_space<semaphore_mem>>
      %dma_start3A_74 = tpu.memref_squeeze %dma_start3A_73 : memref<1x!tpu.dma_semaphore, #tpu.memory_space<semaphore_mem>> -> memref<!tpu.dma_semaphore, #tpu.memory_space<semaphore_mem>>
      tpu.enqueue_indirect_dma source(%dma_start3A_72 : memref<1000000x64xf32, #tpu.memory_space<hbm>>) target(%dma_start3A_66 : memref<128x64xf32, #tpu.memory_space<vmem>>) offsets(%dma_start3A_69 : memref<128xi32, #tpu.memory_space<vmem>>) semaphore(%dma_start3A_74 : memref<!tpu.dma_semaphore, #tpu.memory_space<semaphore_mem>>)
      %add3A_75 = arith.constant 4 : i32
      %add3A_76 = arith.addi %add3A_11, %add3A_75 : i32
      %dma_start3A_77 = arith.constant 4 : i32
      %dma_start3A_78 = arith.constant 4 : i32
      %dma_start3A_79 = arith.constant 0 : i32
      %dma_start3A_80 = arith.constant 0 : i32
      %dma_start3A_81 = tpu.memref_slice %arg6[%dma_start3A_77, %dma_start3A_79, %dma_start3A_80] : memref<8x128x64xf32, #tpu.memory_space<vmem>> -> memref<1x128x64xf32, #tpu.memory_space<vmem>>
      %dma_start3A_82 = tpu.memref_squeeze %dma_start3A_81 : memref<1x128x64xf32, #tpu.memory_space<vmem>> -> memref<128x64xf32, #tpu.memory_space<vmem>>
      %dma_start3A_83 = arith.constant 0 : i32
      %dma_start3A_84 = tpu.memref_slice %arg5[%add3A_76, %dma_start3A_83] : memref<200x128xi32, #tpu.memory_space<vmem>> -> memref<1x128xi32, #tpu.memory_space<vmem>>
      %dma_start3A_85 = tpu.memref_squeeze %dma_start3A_84 : memref<1x128xi32, #tpu.memory_space<vmem>> -> memref<128xi32, #tpu.memory_space<vmem>>
      %dma_start3A_86 = arith.constant 0 : i32
      %dma_start3A_87 = arith.constant 0 : i32
      %dma_start3A_88 = tpu.memref_slice %arg2[%dma_start3A_86, %dma_start3A_87] : memref<1000000x64xf32, #tpu.memory_space<hbm>> -> memref<1000000x64xf32, #tpu.memory_space<hbm>>
      %dma_start3A_89 = tpu.memref_slice %arg7[%dma_start3A_78] : memref<8x!tpu.dma_semaphore, #tpu.memory_space<semaphore_mem>> -> memref<1x!tpu.dma_semaphore, #tpu.memory_space<semaphore_mem>>
      %dma_start3A_90 = tpu.memref_squeeze %dma_start3A_89 : memref<1x!tpu.dma_semaphore, #tpu.memory_space<semaphore_mem>> -> memref<!tpu.dma_semaphore, #tpu.memory_space<semaphore_mem>>
      tpu.enqueue_indirect_dma source(%dma_start3A_88 : memref<1000000x64xf32, #tpu.memory_space<hbm>>) target(%dma_start3A_82 : memref<128x64xf32, #tpu.memory_space<vmem>>) offsets(%dma_start3A_85 : memref<128xi32, #tpu.memory_space<vmem>>) semaphore(%dma_start3A_90 : memref<!tpu.dma_semaphore, #tpu.memory_space<semaphore_mem>>)
      %add3A_91 = arith.constant 5 : i32
      %add3A_92 = arith.addi %add3A_11, %add3A_91 : i32
      %dma_start3A_93 = arith.constant 5 : i32
      %dma_start3A_94 = arith.constant 5 : i32
      %dma_start3A_95 = arith.constant 0 : i32
      %dma_start3A_96 = arith.constant 0 : i32
      %dma_start3A_97 = tpu.memref_slice %arg6[%dma_start3A_93, %dma_start3A_95, %dma_start3A_96] : memref<8x128x64xf32, #tpu.memory_space<vmem>> -> memref<1x128x64xf32, #tpu.memory_space<vmem>>
      %dma_start3A_98 = tpu.memref_squeeze %dma_start3A_97 : memref<1x128x64xf32, #tpu.memory_space<vmem>> -> memref<128x64xf32, #tpu.memory_space<vmem>>
      %dma_start3A_99 = arith.constant 0 : i32
      %dma_start3A_100 = tpu.memref_slice %arg5[%add3A_92, %dma_start3A_99] : memref<200x128xi32, #tpu.memory_space<vmem>> -> memref<1x128xi32, #tpu.memory_space<vmem>>
      %dma_start3A_101 = tpu.memref_squeeze %dma_start3A_100 : memref<1x128xi32, #tpu.memory_space<vmem>> -> memref<128xi32, #tpu.memory_space<vmem>>
      %dma_start3A_102 = arith.constant 0 : i32
      %dma_start3A_103 = arith.constant 0 : i32
      %dma_start3A_104 = tpu.memref_slice %arg2[%dma_start3A_102, %dma_start3A_103] : memref<1000000x64xf32, #tpu.memory_space<hbm>> -> memref<1000000x64xf32, #tpu.memory_space<hbm>>
      %dma_start3A_105 = tpu.memref_slice %arg7[%dma_start3A_94] : memref<8x!tpu.dma_semaphore, #tpu.memory_space<semaphore_mem>> -> memref<1x!tpu.dma_semaphore, #tpu.memory_space<semaphore_mem>>
      %dma_start3A_106 = tpu.memref_squeeze %dma_start3A_105 : memref<1x!tpu.dma_semaphore, #tpu.memory_space<semaphore_mem>> -> memref<!tpu.dma_semaphore, #tpu.memory_space<semaphore_mem>>
      tpu.enqueue_indirect_dma source(%dma_start3A_104 : memref<1000000x64xf32, #tpu.memory_space<hbm>>) target(%dma_start3A_98 : memref<128x64xf32, #tpu.memory_space<vmem>>) offsets(%dma_start3A_101 : memref<128xi32, #tpu.memory_space<vmem>>) semaphore(%dma_start3A_106 : memref<!tpu.dma_semaphore, #tpu.memory_space<semaphore_mem>>)
      %add3A_107 = arith.constant 6 : i32
      %add3A_108 = arith.addi %add3A_11, %add3A_107 : i32
      %dma_start3A_109 = arith.constant 6 : i32
      %dma_start3A_110 = arith.constant 6 : i32
      %dma_start3A_111 = arith.constant 0 : i32
      %dma_start3A_112 = arith.constant 0 : i32
      %dma_start3A_113 = tpu.memref_slice %arg6[%dma_start3A_109, %dma_start3A_111, %dma_start3A_112] : memref<8x128x64xf32, #tpu.memory_space<vmem>> -> memref<1x128x64xf32, #tpu.memory_space<vmem>>
      %dma_start3A_114 = tpu.memref_squeeze %dma_start3A_113 : memref<1x128x64xf32, #tpu.memory_space<vmem>> -> memref<128x64xf32, #tpu.memory_space<vmem>>
      %dma_start3A_115 = arith.constant 0 : i32
      %dma_start3A_116 = tpu.memref_slice %arg5[%add3A_108, %dma_start3A_115] : memref<200x128xi32, #tpu.memory_space<vmem>> -> memref<1x128xi32, #tpu.memory_space<vmem>>
      %dma_start3A_117 = tpu.memref_squeeze %dma_start3A_116 : memref<1x128xi32, #tpu.memory_space<vmem>> -> memref<128xi32, #tpu.memory_space<vmem>>
      %dma_start3A_118 = arith.constant 0 : i32
      %dma_start3A_119 = arith.constant 0 : i32
      %dma_start3A_120 = tpu.memref_slice %arg2[%dma_start3A_118, %dma_start3A_119] : memref<1000000x64xf32, #tpu.memory_space<hbm>> -> memref<1000000x64xf32, #tpu.memory_space<hbm>>
      %dma_start3A_121 = tpu.memref_slice %arg7[%dma_start3A_110] : memref<8x!tpu.dma_semaphore, #tpu.memory_space<semaphore_mem>> -> memref<1x!tpu.dma_semaphore, #tpu.memory_space<semaphore_mem>>
      %dma_start3A_122 = tpu.memref_squeeze %dma_start3A_121 : memref<1x!tpu.dma_semaphore, #tpu.memory_space<semaphore_mem>> -> memref<!tpu.dma_semaphore, #tpu.memory_space<semaphore_mem>>
      tpu.enqueue_indirect_dma source(%dma_start3A_120 : memref<1000000x64xf32, #tpu.memory_space<hbm>>) target(%dma_start3A_114 : memref<128x64xf32, #tpu.memory_space<vmem>>) offsets(%dma_start3A_117 : memref<128xi32, #tpu.memory_space<vmem>>) semaphore(%dma_start3A_122 : memref<!tpu.dma_semaphore, #tpu.memory_space<semaphore_mem>>)
      %add3A_123 = arith.constant 7 : i32
      %add3A_124 = arith.addi %add3A_11, %add3A_123 : i32
      %dma_start3A_125 = arith.constant 7 : i32
      %dma_start3A_126 = arith.constant 7 : i32
      %dma_start3A_127 = arith.constant 0 : i32
      %dma_start3A_128 = arith.constant 0 : i32
      %dma_start3A_129 = tpu.memref_slice %arg6[%dma_start3A_125, %dma_start3A_127, %dma_start3A_128] : memref<8x128x64xf32, #tpu.memory_space<vmem>> -> memref<1x128x64xf32, #tpu.memory_space<vmem>>
      %dma_start3A_130 = tpu.memref_squeeze %dma_start3A_129 : memref<1x128x64xf32, #tpu.memory_space<vmem>> -> memref<128x64xf32, #tpu.memory_space<vmem>>
      %dma_start3A_131 = arith.constant 0 : i32
      %dma_start3A_132 = tpu.memref_slice %arg5[%add3A_124, %dma_start3A_131] : memref<200x128xi32, #tpu.memory_space<vmem>> -> memref<1x128xi32, #tpu.memory_space<vmem>>
      %dma_start3A_133 = tpu.memref_squeeze %dma_start3A_132 : memref<1x128xi32, #tpu.memory_space<vmem>> -> memref<128xi32, #tpu.memory_space<vmem>>
      %dma_start3A_134 = arith.constant 0 : i32
      %dma_start3A_135 = arith.constant 0 : i32
      %dma_start3A_136 = tpu.memref_slice %arg2[%dma_start3A_134, %dma_start3A_135] : memref<1000000x64xf32, #tpu.memory_space<hbm>> -> memref<1000000x64xf32, #tpu.memory_space<hbm>>
      %dma_start3A_137 = tpu.memref_slice %arg7[%dma_start3A_126] : memref<8x!tpu.dma_semaphore, #tpu.memory_space<semaphore_mem>> -> memref<1x!tpu.dma_semaphore, #tpu.memory_space<semaphore_mem>>
      %dma_start3A_138 = tpu.memref_squeeze %dma_start3A_137 : memref<1x!tpu.dma_semaphore, #tpu.memory_space<semaphore_mem>> -> memref<!tpu.dma_semaphore, #tpu.memory_space<semaphore_mem>>
      tpu.enqueue_indirect_dma source(%dma_start3A_136 : memref<1000000x64xf32, #tpu.memory_space<hbm>>) target(%dma_start3A_130 : memref<128x64xf32, #tpu.memory_space<vmem>>) offsets(%dma_start3A_133 : memref<128xi32, #tpu.memory_space<vmem>>) semaphore(%dma_start3A_138 : memref<!tpu.dma_semaphore, #tpu.memory_space<semaphore_mem>>)
      %dma_wait3A = arith.constant 0 : i32
      %dma_wait3A_139 = arith.constant 0 : i32
      %dma_wait3A_140 = arith.constant 0 : i32
      %dma_wait3A_141 = arith.constant 0 : i32
      %dma_wait3A_142 = tpu.memref_slice %arg6[%dma_wait3A, %dma_wait3A_140, %dma_wait3A_141] : memref<8x128x64xf32, #tpu.memory_space<vmem>> -> memref<1x128x64xf32, #tpu.memory_space<vmem>>
      %dma_wait3A_143 = tpu.memref_squeeze %dma_wait3A_142 : memref<1x128x64xf32, #tpu.memory_space<vmem>> -> memref<128x64xf32, #tpu.memory_space<vmem>>
      %dma_wait3A_144 = arith.constant 0 : i32
      %dma_wait3A_145 = tpu.memref_slice %arg5[%add3A_13, %dma_wait3A_144] : memref<200x128xi32, #tpu.memory_space<vmem>> -> memref<1x128xi32, #tpu.memory_space<vmem>>
      %dma_wait3A_146 = tpu.memref_squeeze %dma_wait3A_145 : memref<1x128xi32, #tpu.memory_space<vmem>> -> memref<128xi32, #tpu.memory_space<vmem>>
      %dma_wait3A_147 = arith.constant 0 : i32
      %dma_wait3A_148 = arith.constant 0 : i32
      %dma_wait3A_149 = tpu.memref_slice %arg2[%dma_wait3A_147, %dma_wait3A_148] : memref<1000000x64xf32, #tpu.memory_space<hbm>> -> memref<1000000x64xf32, #tpu.memory_space<hbm>>
      %dma_wait3A_150 = tpu.memref_slice %arg7[%dma_wait3A_139] : memref<8x!tpu.dma_semaphore, #tpu.memory_space<semaphore_mem>> -> memref<1x!tpu.dma_semaphore, #tpu.memory_space<semaphore_mem>>
      %dma_wait3A_151 = tpu.memref_squeeze %dma_wait3A_150 : memref<1x!tpu.dma_semaphore, #tpu.memory_space<semaphore_mem>> -> memref<!tpu.dma_semaphore, #tpu.memory_space<semaphore_mem>>
      tpu.wait_indirect_dma semaphore(%dma_wait3A_151 : memref<!tpu.dma_semaphore, #tpu.memory_space<semaphore_mem>>) src(%dma_wait3A_149 : memref<1000000x64xf32, #tpu.memory_space<hbm>>) dst(%dma_wait3A_143 : memref<128x64xf32, #tpu.memory_space<vmem>>)
      %add3A_152 = arith.constant 0 : i32
      %add3A_153 = arith.addi %add3A_11, %add3A_152 : i32
      %mul3A_154 = arith.constant 128 : i32
      %mul3A_155 = arith.muli %add3A_153, %mul3A_154 : i32
      %add3A_156 = arith.addi %mul3A_2, %mul3A_155 : i32
      %dma_start3A_157 = arith.constant 0 : i32
      %dma_start3A_158 = arith.constant 0 : i32
      %dma_start3A_159 = arith.constant 0 : i32
      %dma_start3A_160 = arith.constant 0 : i32
      %dma_start3A_161 = tpu.memref_slice %arg6[%dma_start3A_157, %dma_start3A_159, %dma_start3A_160] : memref<8x128x64xf32, #tpu.memory_space<vmem>> -> memref<1x128x64xf32, #tpu.memory_space<vmem>>
      %dma_start3A_162 = tpu.memref_squeeze %dma_start3A_161 : memref<1x128x64xf32, #tpu.memory_space<vmem>> -> memref<128x64xf32, #tpu.memory_space<vmem>>
      %dma_start3A_163 = arith.constant 0 : i32
      %dma_start3A_164 = tpu.memref_slice %arg4[%add3A_156, %dma_start3A_163] : memref<819200x64xf32, #tpu.memory_space<hbm>> -> memref<128x64xf32, #tpu.memory_space<hbm>>
      %dma_start3A_165 = tpu.memref_slice %arg8[%dma_start3A_158] : memref<8x!tpu.dma_semaphore, #tpu.memory_space<semaphore_mem>> -> memref<1x!tpu.dma_semaphore, #tpu.memory_space<semaphore_mem>>
      %dma_start3A_166 = tpu.memref_squeeze %dma_start3A_165 : memref<1x!tpu.dma_semaphore, #tpu.memory_space<semaphore_mem>> -> memref<!tpu.dma_semaphore, #tpu.memory_space<semaphore_mem>>
      %dma_start3A_167 = arith.constant 0 : i32
      %dma_start3A_168 = tpu.memref_slice %arg4[%add3A_156, %dma_start3A_167] : memref<819200x64xf32, #tpu.memory_space<hbm>> -> memref<128x64xf32, #tpu.memory_space<hbm>>
      %dma_start3A_169 = arith.constant 0 : i32
      %dma_start3A_170 = arith.constant 0 : i32
      %dma_start3A_171 = tpu.memref_slice %arg6[%dma_start3A_157, %dma_start3A_169, %dma_start3A_170] : memref<8x128x64xf32, #tpu.memory_space<vmem>> -> memref<1x128x64xf32, #tpu.memory_space<vmem>>
      %dma_start3A_172 = tpu.memref_squeeze %dma_start3A_171 : memref<1x128x64xf32, #tpu.memory_space<vmem>> -> memref<128x64xf32, #tpu.memory_space<vmem>>
      tpu.enqueue_dma source(%dma_start3A_172 : memref<128x64xf32, #tpu.memory_space<vmem>>) target(%dma_start3A_168 : memref<128x64xf32, #tpu.memory_space<hbm>>) target_semaphore(%dma_start3A_166 : memref<!tpu.dma_semaphore, #tpu.memory_space<semaphore_mem>>)
      %dma_wait3A_173 = arith.constant 1 : i32
      %dma_wait3A_174 = arith.constant 1 : i32
      %dma_wait3A_175 = arith.constant 0 : i32
      %dma_wait3A_176 = arith.constant 0 : i32
      %dma_wait3A_177 = tpu.memref_slice %arg6[%dma_wait3A_173, %dma_wait3A_175, %dma_wait3A_176] : memref<8x128x64xf32, #tpu.memory_space<vmem>> -> memref<1x128x64xf32, #tpu.memory_space<vmem>>
      %dma_wait3A_178 = tpu.memref_squeeze %dma_wait3A_177 : memref<1x128x64xf32, #tpu.memory_space<vmem>> -> memref<128x64xf32, #tpu.memory_space<vmem>>
      %dma_wait3A_179 = arith.constant 0 : i32
      %dma_wait3A_180 = tpu.memref_slice %arg5[%add3A_28, %dma_wait3A_179] : memref<200x128xi32, #tpu.memory_space<vmem>> -> memref<1x128xi32, #tpu.memory_space<vmem>>
      %dma_wait3A_181 = tpu.memref_squeeze %dma_wait3A_180 : memref<1x128xi32, #tpu.memory_space<vmem>> -> memref<128xi32, #tpu.memory_space<vmem>>
      %dma_wait3A_182 = arith.constant 0 : i32
      %dma_wait3A_183 = arith.constant 0 : i32
      %dma_wait3A_184 = tpu.memref_slice %arg2[%dma_wait3A_182, %dma_wait3A_183] : memref<1000000x64xf32, #tpu.memory_space<hbm>> -> memref<1000000x64xf32, #tpu.memory_space<hbm>>
      %dma_wait3A_185 = tpu.memref_slice %arg7[%dma_wait3A_174] : memref<8x!tpu.dma_semaphore, #tpu.memory_space<semaphore_mem>> -> memref<1x!tpu.dma_semaphore, #tpu.memory_space<semaphore_mem>>
      %dma_wait3A_186 = tpu.memref_squeeze %dma_wait3A_185 : memref<1x!tpu.dma_semaphore, #tpu.memory_space<semaphore_mem>> -> memref<!tpu.dma_semaphore, #tpu.memory_space<semaphore_mem>>
      tpu.wait_indirect_dma semaphore(%dma_wait3A_186 : memref<!tpu.dma_semaphore, #tpu.memory_space<semaphore_mem>>) src(%dma_wait3A_184 : memref<1000000x64xf32, #tpu.memory_space<hbm>>) dst(%dma_wait3A_178 : memref<128x64xf32, #tpu.memory_space<vmem>>)
      %add3A_187 = arith.constant 1 : i32
      %add3A_188 = arith.addi %add3A_11, %add3A_187 : i32
      %mul3A_189 = arith.constant 128 : i32
      %mul3A_190 = arith.muli %add3A_188, %mul3A_189 : i32
      %add3A_191 = arith.addi %mul3A_2, %mul3A_190 : i32
      %dma_start3A_192 = arith.constant 1 : i32
      %dma_start3A_193 = arith.constant 1 : i32
      %dma_start3A_194 = arith.constant 0 : i32
      %dma_start3A_195 = arith.constant 0 : i32
      %dma_start3A_196 = tpu.memref_slice %arg6[%dma_start3A_192, %dma_start3A_194, %dma_start3A_195] : memref<8x128x64xf32, #tpu.memory_space<vmem>> -> memref<1x128x64xf32, #tpu.memory_space<vmem>>
      %dma_start3A_197 = tpu.memref_squeeze %dma_start3A_196 : memref<1x128x64xf32, #tpu.memory_space<vmem>> -> memref<128x64xf32, #tpu.memory_space<vmem>>
      %dma_start3A_198 = arith.constant 0 : i32
      %dma_start3A_199 = tpu.memref_slice %arg4[%add3A_191, %dma_start3A_198] : memref<819200x64xf32, #tpu.memory_space<hbm>> -> memref<128x64xf32, #tpu.memory_space<hbm>>
      %dma_start3A_200 = tpu.memref_slice %arg8[%dma_start3A_193] : memref<8x!tpu.dma_semaphore, #tpu.memory_space<semaphore_mem>> -> memref<1x!tpu.dma_semaphore, #tpu.memory_space<semaphore_mem>>
      %dma_start3A_201 = tpu.memref_squeeze %dma_start3A_200 : memref<1x!tpu.dma_semaphore, #tpu.memory_space<semaphore_mem>> -> memref<!tpu.dma_semaphore, #tpu.memory_space<semaphore_mem>>
      %dma_start3A_202 = arith.constant 0 : i32
      %dma_start3A_203 = tpu.memref_slice %arg4[%add3A_191, %dma_start3A_202] : memref<819200x64xf32, #tpu.memory_space<hbm>> -> memref<128x64xf32, #tpu.memory_space<hbm>>
      %dma_start3A_204 = arith.constant 0 : i32
      %dma_start3A_205 = arith.constant 0 : i32
      %dma_start3A_206 = tpu.memref_slice %arg6[%dma_start3A_192, %dma_start3A_204, %dma_start3A_205] : memref<8x128x64xf32, #tpu.memory_space<vmem>> -> memref<1x128x64xf32, #tpu.memory_space<vmem>>
      %dma_start3A_207 = tpu.memref_squeeze %dma_start3A_206 : memref<1x128x64xf32, #tpu.memory_space<vmem>> -> memref<128x64xf32, #tpu.memory_space<vmem>>
      tpu.enqueue_dma source(%dma_start3A_207 : memref<128x64xf32, #tpu.memory_space<vmem>>) target(%dma_start3A_203 : memref<128x64xf32, #tpu.memory_space<hbm>>) target_semaphore(%dma_start3A_201 : memref<!tpu.dma_semaphore, #tpu.memory_space<semaphore_mem>>)
      %dma_wait3A_208 = arith.constant 2 : i32
      %dma_wait3A_209 = arith.constant 2 : i32
      %dma_wait3A_210 = arith.constant 0 : i32
      %dma_wait3A_211 = arith.constant 0 : i32
      %dma_wait3A_212 = tpu.memref_slice %arg6[%dma_wait3A_208, %dma_wait3A_210, %dma_wait3A_211] : memref<8x128x64xf32, #tpu.memory_space<vmem>> -> memref<1x128x64xf32, #tpu.memory_space<vmem>>
      %dma_wait3A_213 = tpu.memref_squeeze %dma_wait3A_212 : memref<1x128x64xf32, #tpu.memory_space<vmem>> -> memref<128x64xf32, #tpu.memory_space<vmem>>
      %dma_wait3A_214 = arith.constant 0 : i32
      %dma_wait3A_215 = tpu.memref_slice %arg5[%add3A_44, %dma_wait3A_214] : memref<200x128xi32, #tpu.memory_space<vmem>> -> memref<1x128xi32, #tpu.memory_space<vmem>>
      %dma_wait3A_216 = tpu.memref_squeeze %dma_wait3A_215 : memref<1x128xi32, #tpu.memory_space<vmem>> -> memref<128xi32, #tpu.memory_space<vmem>>
      %dma_wait3A_217 = arith.constant 0 : i32
      %dma_wait3A_218 = arith.constant 0 : i32
      %dma_wait3A_219 = tpu.memref_slice %arg2[%dma_wait3A_217, %dma_wait3A_218] : memref<1000000x64xf32, #tpu.memory_space<hbm>> -> memref<1000000x64xf32, #tpu.memory_space<hbm>>
      %dma_wait3A_220 = tpu.memref_slice %arg7[%dma_wait3A_209] : memref<8x!tpu.dma_semaphore, #tpu.memory_space<semaphore_mem>> -> memref<1x!tpu.dma_semaphore, #tpu.memory_space<semaphore_mem>>
      %dma_wait3A_221 = tpu.memref_squeeze %dma_wait3A_220 : memref<1x!tpu.dma_semaphore, #tpu.memory_space<semaphore_mem>> -> memref<!tpu.dma_semaphore, #tpu.memory_space<semaphore_mem>>
      tpu.wait_indirect_dma semaphore(%dma_wait3A_221 : memref<!tpu.dma_semaphore, #tpu.memory_space<semaphore_mem>>) src(%dma_wait3A_219 : memref<1000000x64xf32, #tpu.memory_space<hbm>>) dst(%dma_wait3A_213 : memref<128x64xf32, #tpu.memory_space<vmem>>)
      %add3A_222 = arith.constant 2 : i32
      %add3A_223 = arith.addi %add3A_11, %add3A_222 : i32
      %mul3A_224 = arith.constant 128 : i32
      %mul3A_225 = arith.muli %add3A_223, %mul3A_224 : i32
      %add3A_226 = arith.addi %mul3A_2, %mul3A_225 : i32
      %dma_start3A_227 = arith.constant 2 : i32
      %dma_start3A_228 = arith.constant 2 : i32
      %dma_start3A_229 = arith.constant 0 : i32
      %dma_start3A_230 = arith.constant 0 : i32
      %dma_start3A_231 = tpu.memref_slice %arg6[%dma_start3A_227, %dma_start3A_229, %dma_start3A_230] : memref<8x128x64xf32, #tpu.memory_space<vmem>> -> memref<1x128x64xf32, #tpu.memory_space<vmem>>
      %dma_start3A_232 = tpu.memref_squeeze %dma_start3A_231 : memref<1x128x64xf32, #tpu.memory_space<vmem>> -> memref<128x64xf32, #tpu.memory_space<vmem>>
      %dma_start3A_233 = arith.constant 0 : i32
      %dma_start3A_234 = tpu.memref_slice %arg4[%add3A_226, %dma_start3A_233] : memref<819200x64xf32, #tpu.memory_space<hbm>> -> memref<128x64xf32, #tpu.memory_space<hbm>>
      %dma_start3A_235 = tpu.memref_slice %arg8[%dma_start3A_228] : memref<8x!tpu.dma_semaphore, #tpu.memory_space<semaphore_mem>> -> memref<1x!tpu.dma_semaphore, #tpu.memory_space<semaphore_mem>>
      %dma_start3A_236 = tpu.memref_squeeze %dma_start3A_235 : memref<1x!tpu.dma_semaphore, #tpu.memory_space<semaphore_mem>> -> memref<!tpu.dma_semaphore, #tpu.memory_space<semaphore_mem>>
      %dma_start3A_237 = arith.constant 0 : i32
      %dma_start3A_238 = tpu.memref_slice %arg4[%add3A_226, %dma_start3A_237] : memref<819200x64xf32, #tpu.memory_space<hbm>> -> memref<128x64xf32, #tpu.memory_space<hbm>>
      %dma_start3A_239 = arith.constant 0 : i32
      %dma_start3A_240 = arith.constant 0 : i32
      %dma_start3A_241 = tpu.memref_slice %arg6[%dma_start3A_227, %dma_start3A_239, %dma_start3A_240] : memref<8x128x64xf32, #tpu.memory_space<vmem>> -> memref<1x128x64xf32, #tpu.memory_space<vmem>>
      %dma_start3A_242 = tpu.memref_squeeze %dma_start3A_241 : memref<1x128x64xf32, #tpu.memory_space<vmem>> -> memref<128x64xf32, #tpu.memory_space<vmem>>
      tpu.enqueue_dma source(%dma_start3A_242 : memref<128x64xf32, #tpu.memory_space<vmem>>) target(%dma_start3A_238 : memref<128x64xf32, #tpu.memory_space<hbm>>) target_semaphore(%dma_start3A_236 : memref<!tpu.dma_semaphore, #tpu.memory_space<semaphore_mem>>)
      %dma_wait3A_243 = arith.constant 3 : i32
      %dma_wait3A_244 = arith.constant 3 : i32
      %dma_wait3A_245 = arith.constant 0 : i32
      %dma_wait3A_246 = arith.constant 0 : i32
      %dma_wait3A_247 = tpu.memref_slice %arg6[%dma_wait3A_243, %dma_wait3A_245, %dma_wait3A_246] : memref<8x128x64xf32, #tpu.memory_space<vmem>> -> memref<1x128x64xf32, #tpu.memory_space<vmem>>
      %dma_wait3A_248 = tpu.memref_squeeze %dma_wait3A_247 : memref<1x128x64xf32, #tpu.memory_space<vmem>> -> memref<128x64xf32, #tpu.memory_space<vmem>>
      %dma_wait3A_249 = arith.constant 0 : i32
      %dma_wait3A_250 = tpu.memref_slice %arg5[%add3A_60, %dma_wait3A_249] : memref<200x128xi32, #tpu.memory_space<vmem>> -> memref<1x128xi32, #tpu.memory_space<vmem>>
      %dma_wait3A_251 = tpu.memref_squeeze %dma_wait3A_250 : memref<1x128xi32, #tpu.memory_space<vmem>> -> memref<128xi32, #tpu.memory_space<vmem>>
      %dma_wait3A_252 = arith.constant 0 : i32
      %dma_wait3A_253 = arith.constant 0 : i32
      %dma_wait3A_254 = tpu.memref_slice %arg2[%dma_wait3A_252, %dma_wait3A_253] : memref<1000000x64xf32, #tpu.memory_space<hbm>> -> memref<1000000x64xf32, #tpu.memory_space<hbm>>
      %dma_wait3A_255 = tpu.memref_slice %arg7[%dma_wait3A_244] : memref<8x!tpu.dma_semaphore, #tpu.memory_space<semaphore_mem>> -> memref<1x!tpu.dma_semaphore, #tpu.memory_space<semaphore_mem>>
      %dma_wait3A_256 = tpu.memref_squeeze %dma_wait3A_255 : memref<1x!tpu.dma_semaphore, #tpu.memory_space<semaphore_mem>> -> memref<!tpu.dma_semaphore, #tpu.memory_space<semaphore_mem>>
      tpu.wait_indirect_dma semaphore(%dma_wait3A_256 : memref<!tpu.dma_semaphore, #tpu.memory_space<semaphore_mem>>) src(%dma_wait3A_254 : memref<1000000x64xf32, #tpu.memory_space<hbm>>) dst(%dma_wait3A_248 : memref<128x64xf32, #tpu.memory_space<vmem>>)
      %add3A_257 = arith.constant 3 : i32
      %add3A_258 = arith.addi %add3A_11, %add3A_257 : i32
      %mul3A_259 = arith.constant 128 : i32
      %mul3A_260 = arith.muli %add3A_258, %mul3A_259 : i32
      %add3A_261 = arith.addi %mul3A_2, %mul3A_260 : i32
      %dma_start3A_262 = arith.constant 3 : i32
      %dma_start3A_263 = arith.constant 3 : i32
      %dma_start3A_264 = arith.constant 0 : i32
      %dma_start3A_265 = arith.constant 0 : i32
      %dma_start3A_266 = tpu.memref_slice %arg6[%dma_start3A_262, %dma_start3A_264, %dma_start3A_265] : memref<8x128x64xf32, #tpu.memory_space<vmem>> -> memref<1x128x64xf32, #tpu.memory_space<vmem>>
      %dma_start3A_267 = tpu.memref_squeeze %dma_start3A_266 : memref<1x128x64xf32, #tpu.memory_space<vmem>> -> memref<128x64xf32, #tpu.memory_space<vmem>>
      %dma_start3A_268 = arith.constant 0 : i32
      %dma_start3A_269 = tpu.memref_slice %arg4[%add3A_261, %dma_start3A_268] : memref<819200x64xf32, #tpu.memory_space<hbm>> -> memref<128x64xf32, #tpu.memory_space<hbm>>
      %dma_start3A_270 = tpu.memref_slice %arg8[%dma_start3A_263] : memref<8x!tpu.dma_semaphore, #tpu.memory_space<semaphore_mem>> -> memref<1x!tpu.dma_semaphore, #tpu.memory_space<semaphore_mem>>
      %dma_start3A_271 = tpu.memref_squeeze %dma_start3A_270 : memref<1x!tpu.dma_semaphore, #tpu.memory_space<semaphore_mem>> -> memref<!tpu.dma_semaphore, #tpu.memory_space<semaphore_mem>>
      %dma_start3A_272 = arith.constant 0 : i32
      %dma_start3A_273 = tpu.memref_slice %arg4[%add3A_261, %dma_start3A_272] : memref<819200x64xf32, #tpu.memory_space<hbm>> -> memref<128x64xf32, #tpu.memory_space<hbm>>
      %dma_start3A_274 = arith.constant 0 : i32
      %dma_start3A_275 = arith.constant 0 : i32
      %dma_start3A_276 = tpu.memref_slice %arg6[%dma_start3A_262, %dma_start3A_274, %dma_start3A_275] : memref<8x128x64xf32, #tpu.memory_space<vmem>> -> memref<1x128x64xf32, #tpu.memory_space<vmem>>
      %dma_start3A_277 = tpu.memref_squeeze %dma_start3A_276 : memref<1x128x64xf32, #tpu.memory_space<vmem>> -> memref<128x64xf32, #tpu.memory_space<vmem>>
      tpu.enqueue_dma source(%dma_start3A_277 : memref<128x64xf32, #tpu.memory_space<vmem>>) target(%dma_start3A_273 : memref<128x64xf32, #tpu.memory_space<hbm>>) target_semaphore(%dma_start3A_271 : memref<!tpu.dma_semaphore, #tpu.memory_space<semaphore_mem>>)
      %dma_wait3A_278 = arith.constant 4 : i32
      %dma_wait3A_279 = arith.constant 4 : i32
      %dma_wait3A_280 = arith.constant 0 : i32
      %dma_wait3A_281 = arith.constant 0 : i32
      %dma_wait3A_282 = tpu.memref_slice %arg6[%dma_wait3A_278, %dma_wait3A_280, %dma_wait3A_281] : memref<8x128x64xf32, #tpu.memory_space<vmem>> -> memref<1x128x64xf32, #tpu.memory_space<vmem>>
      %dma_wait3A_283 = tpu.memref_squeeze %dma_wait3A_282 : memref<1x128x64xf32, #tpu.memory_space<vmem>> -> memref<128x64xf32, #tpu.memory_space<vmem>>
      %dma_wait3A_284 = arith.constant 0 : i32
      %dma_wait3A_285 = tpu.memref_slice %arg5[%add3A_76, %dma_wait3A_284] : memref<200x128xi32, #tpu.memory_space<vmem>> -> memref<1x128xi32, #tpu.memory_space<vmem>>
      %dma_wait3A_286 = tpu.memref_squeeze %dma_wait3A_285 : memref<1x128xi32, #tpu.memory_space<vmem>> -> memref<128xi32, #tpu.memory_space<vmem>>
      %dma_wait3A_287 = arith.constant 0 : i32
      %dma_wait3A_288 = arith.constant 0 : i32
      %dma_wait3A_289 = tpu.memref_slice %arg2[%dma_wait3A_287, %dma_wait3A_288] : memref<1000000x64xf32, #tpu.memory_space<hbm>> -> memref<1000000x64xf32, #tpu.memory_space<hbm>>
      %dma_wait3A_290 = tpu.memref_slice %arg7[%dma_wait3A_279] : memref<8x!tpu.dma_semaphore, #tpu.memory_space<semaphore_mem>> -> memref<1x!tpu.dma_semaphore, #tpu.memory_space<semaphore_mem>>
      %dma_wait3A_291 = tpu.memref_squeeze %dma_wait3A_290 : memref<1x!tpu.dma_semaphore, #tpu.memory_space<semaphore_mem>> -> memref<!tpu.dma_semaphore, #tpu.memory_space<semaphore_mem>>
      tpu.wait_indirect_dma semaphore(%dma_wait3A_291 : memref<!tpu.dma_semaphore, #tpu.memory_space<semaphore_mem>>) src(%dma_wait3A_289 : memref<1000000x64xf32, #tpu.memory_space<hbm>>) dst(%dma_wait3A_283 : memref<128x64xf32, #tpu.memory_space<vmem>>)
      %add3A_292 = arith.constant 4 : i32
      %add3A_293 = arith.addi %add3A_11, %add3A_292 : i32
      %mul3A_294 = arith.constant 128 : i32
      %mul3A_295 = arith.muli %add3A_293, %mul3A_294 : i32
      %add3A_296 = arith.addi %mul3A_2, %mul3A_295 : i32
      %dma_start3A_297 = arith.constant 4 : i32
      %dma_start3A_298 = arith.constant 4 : i32
      %dma_start3A_299 = arith.constant 0 : i32
      %dma_start3A_300 = arith.constant 0 : i32
      %dma_start3A_301 = tpu.memref_slice %arg6[%dma_start3A_297, %dma_start3A_299, %dma_start3A_300] : memref<8x128x64xf32, #tpu.memory_space<vmem>> -> memref<1x128x64xf32, #tpu.memory_space<vmem>>
      %dma_start3A_302 = tpu.memref_squeeze %dma_start3A_301 : memref<1x128x64xf32, #tpu.memory_space<vmem>> -> memref<128x64xf32, #tpu.memory_space<vmem>>
      %dma_start3A_303 = arith.constant 0 : i32
      %dma_start3A_304 = tpu.memref_slice %arg4[%add3A_296, %dma_start3A_303] : memref<819200x64xf32, #tpu.memory_space<hbm>> -> memref<128x64xf32, #tpu.memory_space<hbm>>
      %dma_start3A_305 = tpu.memref_slice %arg8[%dma_start3A_298] : memref<8x!tpu.dma_semaphore, #tpu.memory_space<semaphore_mem>> -> memref<1x!tpu.dma_semaphore, #tpu.memory_space<semaphore_mem>>
      %dma_start3A_306 = tpu.memref_squeeze %dma_start3A_305 : memref<1x!tpu.dma_semaphore, #tpu.memory_space<semaphore_mem>> -> memref<!tpu.dma_semaphore, #tpu.memory_space<semaphore_mem>>
      %dma_start3A_307 = arith.constant 0 : i32
      %dma_start3A_308 = tpu.memref_slice %arg4[%add3A_296, %dma_start3A_307] : memref<819200x64xf32, #tpu.memory_space<hbm>> -> memref<128x64xf32, #tpu.memory_space<hbm>>
      %dma_start3A_309 = arith.constant 0 : i32
      %dma_start3A_310 = arith.constant 0 : i32
      %dma_start3A_311 = tpu.memref_slice %arg6[%dma_start3A_297, %dma_start3A_309, %dma_start3A_310] : memref<8x128x64xf32, #tpu.memory_space<vmem>> -> memref<1x128x64xf32, #tpu.memory_space<vmem>>
      %dma_start3A_312 = tpu.memref_squeeze %dma_start3A_311 : memref<1x128x64xf32, #tpu.memory_space<vmem>> -> memref<128x64xf32, #tpu.memory_space<vmem>>
      tpu.enqueue_dma source(%dma_start3A_312 : memref<128x64xf32, #tpu.memory_space<vmem>>) target(%dma_start3A_308 : memref<128x64xf32, #tpu.memory_space<hbm>>) target_semaphore(%dma_start3A_306 : memref<!tpu.dma_semaphore, #tpu.memory_space<semaphore_mem>>)
      %dma_wait3A_313 = arith.constant 5 : i32
      %dma_wait3A_314 = arith.constant 5 : i32
      %dma_wait3A_315 = arith.constant 0 : i32
      %dma_wait3A_316 = arith.constant 0 : i32
      %dma_wait3A_317 = tpu.memref_slice %arg6[%dma_wait3A_313, %dma_wait3A_315, %dma_wait3A_316] : memref<8x128x64xf32, #tpu.memory_space<vmem>> -> memref<1x128x64xf32, #tpu.memory_space<vmem>>
      %dma_wait3A_318 = tpu.memref_squeeze %dma_wait3A_317 : memref<1x128x64xf32, #tpu.memory_space<vmem>> -> memref<128x64xf32, #tpu.memory_space<vmem>>
      %dma_wait3A_319 = arith.constant 0 : i32
      %dma_wait3A_320 = tpu.memref_slice %arg5[%add3A_92, %dma_wait3A_319] : memref<200x128xi32, #tpu.memory_space<vmem>> -> memref<1x128xi32, #tpu.memory_space<vmem>>
      %dma_wait3A_321 = tpu.memref_squeeze %dma_wait3A_320 : memref<1x128xi32, #tpu.memory_space<vmem>> -> memref<128xi32, #tpu.memory_space<vmem>>
      %dma_wait3A_322 = arith.constant 0 : i32
      %dma_wait3A_323 = arith.constant 0 : i32
      %dma_wait3A_324 = tpu.memref_slice %arg2[%dma_wait3A_322, %dma_wait3A_323] : memref<1000000x64xf32, #tpu.memory_space<hbm>> -> memref<1000000x64xf32, #tpu.memory_space<hbm>>
      %dma_wait3A_325 = tpu.memref_slice %arg7[%dma_wait3A_314] : memref<8x!tpu.dma_semaphore, #tpu.memory_space<semaphore_mem>> -> memref<1x!tpu.dma_semaphore, #tpu.memory_space<semaphore_mem>>
      %dma_wait3A_326 = tpu.memref_squeeze %dma_wait3A_325 : memref<1x!tpu.dma_semaphore, #tpu.memory_space<semaphore_mem>> -> memref<!tpu.dma_semaphore, #tpu.memory_space<semaphore_mem>>
      tpu.wait_indirect_dma semaphore(%dma_wait3A_326 : memref<!tpu.dma_semaphore, #tpu.memory_space<semaphore_mem>>) src(%dma_wait3A_324 : memref<1000000x64xf32, #tpu.memory_space<hbm>>) dst(%dma_wait3A_318 : memref<128x64xf32, #tpu.memory_space<vmem>>)
      %add3A_327 = arith.constant 5 : i32
      %add3A_328 = arith.addi %add3A_11, %add3A_327 : i32
      %mul3A_329 = arith.constant 128 : i32
      %mul3A_330 = arith.muli %add3A_328, %mul3A_329 : i32
      %add3A_331 = arith.addi %mul3A_2, %mul3A_330 : i32
      %dma_start3A_332 = arith.constant 5 : i32
      %dma_start3A_333 = arith.constant 5 : i32
      %dma_start3A_334 = arith.constant 0 : i32
      %dma_start3A_335 = arith.constant 0 : i32
      %dma_start3A_336 = tpu.memref_slice %arg6[%dma_start3A_332, %dma_start3A_334, %dma_start3A_335] : memref<8x128x64xf32, #tpu.memory_space<vmem>> -> memref<1x128x64xf32, #tpu.memory_space<vmem>>
      %dma_start3A_337 = tpu.memref_squeeze %dma_start3A_336 : memref<1x128x64xf32, #tpu.memory_space<vmem>> -> memref<128x64xf32, #tpu.memory_space<vmem>>
      %dma_start3A_338 = arith.constant 0 : i32
      %dma_start3A_339 = tpu.memref_slice %arg4[%add3A_331, %dma_start3A_338] : memref<819200x64xf32, #tpu.memory_space<hbm>> -> memref<128x64xf32, #tpu.memory_space<hbm>>
      %dma_start3A_340 = tpu.memref_slice %arg8[%dma_start3A_333] : memref<8x!tpu.dma_semaphore, #tpu.memory_space<semaphore_mem>> -> memref<1x!tpu.dma_semaphore, #tpu.memory_space<semaphore_mem>>
      %dma_start3A_341 = tpu.memref_squeeze %dma_start3A_340 : memref<1x!tpu.dma_semaphore, #tpu.memory_space<semaphore_mem>> -> memref<!tpu.dma_semaphore, #tpu.memory_space<semaphore_mem>>
      %dma_start3A_342 = arith.constant 0 : i32
      %dma_start3A_343 = tpu.memref_slice %arg4[%add3A_331, %dma_start3A_342] : memref<819200x64xf32, #tpu.memory_space<hbm>> -> memref<128x64xf32, #tpu.memory_space<hbm>>
      %dma_start3A_344 = arith.constant 0 : i32
      %dma_start3A_345 = arith.constant 0 : i32
      %dma_start3A_346 = tpu.memref_slice %arg6[%dma_start3A_332, %dma_start3A_344, %dma_start3A_345] : memref<8x128x64xf32, #tpu.memory_space<vmem>> -> memref<1x128x64xf32, #tpu.memory_space<vmem>>
      %dma_start3A_347 = tpu.memref_squeeze %dma_start3A_346 : memref<1x128x64xf32, #tpu.memory_space<vmem>> -> memref<128x64xf32, #tpu.memory_space<vmem>>
      tpu.enqueue_dma source(%dma_start3A_347 : memref<128x64xf32, #tpu.memory_space<vmem>>) target(%dma_start3A_343 : memref<128x64xf32, #tpu.memory_space<hbm>>) target_semaphore(%dma_start3A_341 : memref<!tpu.dma_semaphore, #tpu.memory_space<semaphore_mem>>)
      %dma_wait3A_348 = arith.constant 6 : i32
      %dma_wait3A_349 = arith.constant 6 : i32
      %dma_wait3A_350 = arith.constant 0 : i32
      %dma_wait3A_351 = arith.constant 0 : i32
      %dma_wait3A_352 = tpu.memref_slice %arg6[%dma_wait3A_348, %dma_wait3A_350, %dma_wait3A_351] : memref<8x128x64xf32, #tpu.memory_space<vmem>> -> memref<1x128x64xf32, #tpu.memory_space<vmem>>
      %dma_wait3A_353 = tpu.memref_squeeze %dma_wait3A_352 : memref<1x128x64xf32, #tpu.memory_space<vmem>> -> memref<128x64xf32, #tpu.memory_space<vmem>>
      %dma_wait3A_354 = arith.constant 0 : i32
      %dma_wait3A_355 = tpu.memref_slice %arg5[%add3A_108, %dma_wait3A_354] : memref<200x128xi32, #tpu.memory_space<vmem>> -> memref<1x128xi32, #tpu.memory_space<vmem>>
      %dma_wait3A_356 = tpu.memref_squeeze %dma_wait3A_355 : memref<1x128xi32, #tpu.memory_space<vmem>> -> memref<128xi32, #tpu.memory_space<vmem>>
      %dma_wait3A_357 = arith.constant 0 : i32
      %dma_wait3A_358 = arith.constant 0 : i32
      %dma_wait3A_359 = tpu.memref_slice %arg2[%dma_wait3A_357, %dma_wait3A_358] : memref<1000000x64xf32, #tpu.memory_space<hbm>> -> memref<1000000x64xf32, #tpu.memory_space<hbm>>
      %dma_wait3A_360 = tpu.memref_slice %arg7[%dma_wait3A_349] : memref<8x!tpu.dma_semaphore, #tpu.memory_space<semaphore_mem>> -> memref<1x!tpu.dma_semaphore, #tpu.memory_space<semaphore_mem>>
      %dma_wait3A_361 = tpu.memref_squeeze %dma_wait3A_360 : memref<1x!tpu.dma_semaphore, #tpu.memory_space<semaphore_mem>> -> memref<!tpu.dma_semaphore, #tpu.memory_space<semaphore_mem>>
      tpu.wait_indirect_dma semaphore(%dma_wait3A_361 : memref<!tpu.dma_semaphore, #tpu.memory_space<semaphore_mem>>) src(%dma_wait3A_359 : memref<1000000x64xf32, #tpu.memory_space<hbm>>) dst(%dma_wait3A_353 : memref<128x64xf32, #tpu.memory_space<vmem>>)
      %add3A_362 = arith.constant 6 : i32
      %add3A_363 = arith.addi %add3A_11, %add3A_362 : i32
      %mul3A_364 = arith.constant 128 : i32
      %mul3A_365 = arith.muli %add3A_363, %mul3A_364 : i32
      %add3A_366 = arith.addi %mul3A_2, %mul3A_365 : i32
      %dma_start3A_367 = arith.constant 6 : i32
      %dma_start3A_368 = arith.constant 6 : i32
      %dma_start3A_369 = arith.constant 0 : i32
      %dma_start3A_370 = arith.constant 0 : i32
      %dma_start3A_371 = tpu.memref_slice %arg6[%dma_start3A_367, %dma_start3A_369, %dma_start3A_370] : memref<8x128x64xf32, #tpu.memory_space<vmem>> -> memref<1x128x64xf32, #tpu.memory_space<vmem>>
      %dma_start3A_372 = tpu.memref_squeeze %dma_start3A_371 : memref<1x128x64xf32, #tpu.memory_space<vmem>> -> memref<128x64xf32, #tpu.memory_space<vmem>>
      %dma_start3A_373 = arith.constant 0 : i32
      %dma_start3A_374 = tpu.memref_slice %arg4[%add3A_366, %dma_start3A_373] : memref<819200x64xf32, #tpu.memory_space<hbm>> -> memref<128x64xf32, #tpu.memory_space<hbm>>
      %dma_start3A_375 = tpu.memref_slice %arg8[%dma_start3A_368] : memref<8x!tpu.dma_semaphore, #tpu.memory_space<semaphore_mem>> -> memref<1x!tpu.dma_semaphore, #tpu.memory_space<semaphore_mem>>
      %dma_start3A_376 = tpu.memref_squeeze %dma_start3A_375 : memref<1x!tpu.dma_semaphore, #tpu.memory_space<semaphore_mem>> -> memref<!tpu.dma_semaphore, #tpu.memory_space<semaphore_mem>>
      %dma_start3A_377 = arith.constant 0 : i32
      %dma_start3A_378 = tpu.memref_slice %arg4[%add3A_366, %dma_start3A_377] : memref<819200x64xf32, #tpu.memory_space<hbm>> -> memref<128x64xf32, #tpu.memory_space<hbm>>
      %dma_start3A_379 = arith.constant 0 : i32
      %dma_start3A_380 = arith.constant 0 : i32
      %dma_start3A_381 = tpu.memref_slice %arg6[%dma_start3A_367, %dma_start3A_379, %dma_start3A_380] : memref<8x128x64xf32, #tpu.memory_space<vmem>> -> memref<1x128x64xf32, #tpu.memory_space<vmem>>
      %dma_start3A_382 = tpu.memref_squeeze %dma_start3A_381 : memref<1x128x64xf32, #tpu.memory_space<vmem>> -> memref<128x64xf32, #tpu.memory_space<vmem>>
      tpu.enqueue_dma source(%dma_start3A_382 : memref<128x64xf32, #tpu.memory_space<vmem>>) target(%dma_start3A_378 : memref<128x64xf32, #tpu.memory_space<hbm>>) target_semaphore(%dma_start3A_376 : memref<!tpu.dma_semaphore, #tpu.memory_space<semaphore_mem>>)
      %dma_wait3A_383 = arith.constant 7 : i32
      %dma_wait3A_384 = arith.constant 7 : i32
      %dma_wait3A_385 = arith.constant 0 : i32
      %dma_wait3A_386 = arith.constant 0 : i32
      %dma_wait3A_387 = tpu.memref_slice %arg6[%dma_wait3A_383, %dma_wait3A_385, %dma_wait3A_386] : memref<8x128x64xf32, #tpu.memory_space<vmem>> -> memref<1x128x64xf32, #tpu.memory_space<vmem>>
      %dma_wait3A_388 = tpu.memref_squeeze %dma_wait3A_387 : memref<1x128x64xf32, #tpu.memory_space<vmem>> -> memref<128x64xf32, #tpu.memory_space<vmem>>
      %dma_wait3A_389 = arith.constant 0 : i32
      %dma_wait3A_390 = tpu.memref_slice %arg5[%add3A_124, %dma_wait3A_389] : memref<200x128xi32, #tpu.memory_space<vmem>> -> memref<1x128xi32, #tpu.memory_space<vmem>>
      %dma_wait3A_391 = tpu.memref_squeeze %dma_wait3A_390 : memref<1x128xi32, #tpu.memory_space<vmem>> -> memref<128xi32, #tpu.memory_space<vmem>>
      %dma_wait3A_392 = arith.constant 0 : i32
      %dma_wait3A_393 = arith.constant 0 : i32
      %dma_wait3A_394 = tpu.memref_slice %arg2[%dma_wait3A_392, %dma_wait3A_393] : memref<1000000x64xf32, #tpu.memory_space<hbm>> -> memref<1000000x64xf32, #tpu.memory_space<hbm>>
      %dma_wait3A_395 = tpu.memref_slice %arg7[%dma_wait3A_384] : memref<8x!tpu.dma_semaphore, #tpu.memory_space<semaphore_mem>> -> memref<1x!tpu.dma_semaphore, #tpu.memory_space<semaphore_mem>>
      %dma_wait3A_396 = tpu.memref_squeeze %dma_wait3A_395 : memref<1x!tpu.dma_semaphore, #tpu.memory_space<semaphore_mem>> -> memref<!tpu.dma_semaphore, #tpu.memory_space<semaphore_mem>>
      tpu.wait_indirect_dma semaphore(%dma_wait3A_396 : memref<!tpu.dma_semaphore, #tpu.memory_space<semaphore_mem>>) src(%dma_wait3A_394 : memref<1000000x64xf32, #tpu.memory_space<hbm>>) dst(%dma_wait3A_388 : memref<128x64xf32, #tpu.memory_space<vmem>>)
      %add3A_397 = arith.constant 7 : i32
      %add3A_398 = arith.addi %add3A_11, %add3A_397 : i32
      %mul3A_399 = arith.constant 128 : i32
      %mul3A_400 = arith.muli %add3A_398, %mul3A_399 : i32
      %add3A_401 = arith.addi %mul3A_2, %mul3A_400 : i32
      %dma_start3A_402 = arith.constant 7 : i32
      %dma_start3A_403 = arith.constant 7 : i32
      %dma_start3A_404 = arith.constant 0 : i32
      %dma_start3A_405 = arith.constant 0 : i32
      %dma_start3A_406 = tpu.memref_slice %arg6[%dma_start3A_402, %dma_start3A_404, %dma_start3A_405] : memref<8x128x64xf32, #tpu.memory_space<vmem>> -> memref<1x128x64xf32, #tpu.memory_space<vmem>>
      %dma_start3A_407 = tpu.memref_squeeze %dma_start3A_406 : memref<1x128x64xf32, #tpu.memory_space<vmem>> -> memref<128x64xf32, #tpu.memory_space<vmem>>
      %dma_start3A_408 = arith.constant 0 : i32
      %dma_start3A_409 = tpu.memref_slice %arg4[%add3A_401, %dma_start3A_408] : memref<819200x64xf32, #tpu.memory_space<hbm>> -> memref<128x64xf32, #tpu.memory_space<hbm>>
      %dma_start3A_410 = tpu.memref_slice %arg8[%dma_start3A_403] : memref<8x!tpu.dma_semaphore, #tpu.memory_space<semaphore_mem>> -> memref<1x!tpu.dma_semaphore, #tpu.memory_space<semaphore_mem>>
      %dma_start3A_411 = tpu.memref_squeeze %dma_start3A_410 : memref<1x!tpu.dma_semaphore, #tpu.memory_space<semaphore_mem>> -> memref<!tpu.dma_semaphore, #tpu.memory_space<semaphore_mem>>
      %dma_start3A_412 = arith.constant 0 : i32
      %dma_start3A_413 = tpu.memref_slice %arg4[%add3A_401, %dma_start3A_412] : memref<819200x64xf32, #tpu.memory_space<hbm>> -> memref<128x64xf32, #tpu.memory_space<hbm>>
      %dma_start3A_414 = arith.constant 0 : i32
      %dma_start3A_415 = arith.constant 0 : i32
      %dma_start3A_416 = tpu.memref_slice %arg6[%dma_start3A_402, %dma_start3A_414, %dma_start3A_415] : memref<8x128x64xf32, #tpu.memory_space<vmem>> -> memref<1x128x64xf32, #tpu.memory_space<vmem>>
      %dma_start3A_417 = tpu.memref_squeeze %dma_start3A_416 : memref<1x128x64xf32, #tpu.memory_space<vmem>> -> memref<128x64xf32, #tpu.memory_space<vmem>>
      tpu.enqueue_dma source(%dma_start3A_417 : memref<128x64xf32, #tpu.memory_space<vmem>>) target(%dma_start3A_413 : memref<128x64xf32, #tpu.memory_space<hbm>>) target_semaphore(%dma_start3A_411 : memref<!tpu.dma_semaphore, #tpu.memory_space<semaphore_mem>>)
      %dma_wait3A_418 = arith.constant 0 : i32
      %dma_wait3A_419 = arith.constant 0 : i32
      %dma_wait3A_420 = arith.constant 0 : i32
      %dma_wait3A_421 = arith.constant 0 : i32
      %dma_wait3A_422 = tpu.memref_slice %arg6[%dma_wait3A_418, %dma_wait3A_420, %dma_wait3A_421] : memref<8x128x64xf32, #tpu.memory_space<vmem>> -> memref<1x128x64xf32, #tpu.memory_space<vmem>>
      %dma_wait3A_423 = tpu.memref_squeeze %dma_wait3A_422 : memref<1x128x64xf32, #tpu.memory_space<vmem>> -> memref<128x64xf32, #tpu.memory_space<vmem>>
      %dma_wait3A_424 = arith.constant 0 : i32
      %dma_wait3A_425 = tpu.memref_slice %arg4[%add3A_156, %dma_wait3A_424] : memref<819200x64xf32, #tpu.memory_space<hbm>> -> memref<128x64xf32, #tpu.memory_space<hbm>>
      %dma_wait3A_426 = tpu.memref_slice %arg8[%dma_wait3A_419] : memref<8x!tpu.dma_semaphore, #tpu.memory_space<semaphore_mem>> -> memref<1x!tpu.dma_semaphore, #tpu.memory_space<semaphore_mem>>
      %dma_wait3A_427 = tpu.memref_squeeze %dma_wait3A_426 : memref<1x!tpu.dma_semaphore, #tpu.memory_space<semaphore_mem>> -> memref<!tpu.dma_semaphore, #tpu.memory_space<semaphore_mem>>
      %dma_wait3A_428 = arith.constant 0 : i32
      %dma_wait3A_429 = tpu.memref_slice %arg4[%add3A_156, %dma_wait3A_428] : memref<819200x64xf32, #tpu.memory_space<hbm>> -> memref<128x64xf32, #tpu.memory_space<hbm>>
      %dma_wait3A_430 = arith.constant 0 : i32
      %dma_wait3A_431 = arith.constant 0 : i32
      %dma_wait3A_432 = tpu.memref_slice %arg6[%dma_wait3A_418, %dma_wait3A_430, %dma_wait3A_431] : memref<8x128x64xf32, #tpu.memory_space<vmem>> -> memref<1x128x64xf32, #tpu.memory_space<vmem>>
      %dma_wait3A_433 = tpu.memref_squeeze %dma_wait3A_432 : memref<1x128x64xf32, #tpu.memory_space<vmem>> -> memref<128x64xf32, #tpu.memory_space<vmem>>
      tpu.wait_dma2 semaphore(%dma_wait3A_427 : memref<!tpu.dma_semaphore, #tpu.memory_space<semaphore_mem>>) src(%dma_wait3A_433 : memref<128x64xf32, #tpu.memory_space<vmem>>) dst(%dma_wait3A_429 : memref<128x64xf32, #tpu.memory_space<hbm>>)
      %dma_wait3A_434 = arith.constant 1 : i32
      %dma_wait3A_435 = arith.constant 1 : i32
      %dma_wait3A_436 = arith.constant 0 : i32
      %dma_wait3A_437 = arith.constant 0 : i32
      %dma_wait3A_438 = tpu.memref_slice %arg6[%dma_wait3A_434, %dma_wait3A_436, %dma_wait3A_437] : memref<8x128x64xf32, #tpu.memory_space<vmem>> -> memref<1x128x64xf32, #tpu.memory_space<vmem>>
      %dma_wait3A_439 = tpu.memref_squeeze %dma_wait3A_438 : memref<1x128x64xf32, #tpu.memory_space<vmem>> -> memref<128x64xf32, #tpu.memory_space<vmem>>
      %dma_wait3A_440 = arith.constant 0 : i32
      %dma_wait3A_441 = tpu.memref_slice %arg4[%add3A_191, %dma_wait3A_440] : memref<819200x64xf32, #tpu.memory_space<hbm>> -> memref<128x64xf32, #tpu.memory_space<hbm>>
      %dma_wait3A_442 = tpu.memref_slice %arg8[%dma_wait3A_435] : memref<8x!tpu.dma_semaphore, #tpu.memory_space<semaphore_mem>> -> memref<1x!tpu.dma_semaphore, #tpu.memory_space<semaphore_mem>>
      %dma_wait3A_443 = tpu.memref_squeeze %dma_wait3A_442 : memref<1x!tpu.dma_semaphore, #tpu.memory_space<semaphore_mem>> -> memref<!tpu.dma_semaphore, #tpu.memory_space<semaphore_mem>>
      %dma_wait3A_444 = arith.constant 0 : i32
      %dma_wait3A_445 = tpu.memref_slice %arg4[%add3A_191, %dma_wait3A_444] : memref<819200x64xf32, #tpu.memory_space<hbm>> -> memref<128x64xf32, #tpu.memory_space<hbm>>
      %dma_wait3A_446 = arith.constant 0 : i32
      %dma_wait3A_447 = arith.constant 0 : i32
      %dma_wait3A_448 = tpu.memref_slice %arg6[%dma_wait3A_434, %dma_wait3A_446, %dma_wait3A_447] : memref<8x128x64xf32, #tpu.memory_space<vmem>> -> memref<1x128x64xf32, #tpu.memory_space<vmem>>
      %dma_wait3A_449 = tpu.memref_squeeze %dma_wait3A_448 : memref<1x128x64xf32, #tpu.memory_space<vmem>> -> memref<128x64xf32, #tpu.memory_space<vmem>>
      tpu.wait_dma2 semaphore(%dma_wait3A_443 : memref<!tpu.dma_semaphore, #tpu.memory_space<semaphore_mem>>) src(%dma_wait3A_449 : memref<128x64xf32, #tpu.memory_space<vmem>>) dst(%dma_wait3A_445 : memref<128x64xf32, #tpu.memory_space<hbm>>)
      %dma_wait3A_450 = arith.constant 2 : i32
      %dma_wait3A_451 = arith.constant 2 : i32
      %dma_wait3A_452 = arith.constant 0 : i32
      %dma_wait3A_453 = arith.constant 0 : i32
      %dma_wait3A_454 = tpu.memref_slice %arg6[%dma_wait3A_450, %dma_wait3A_452, %dma_wait3A_453] : memref<8x128x64xf32, #tpu.memory_space<vmem>> -> memref<1x128x64xf32, #tpu.memory_space<vmem>>
      %dma_wait3A_455 = tpu.memref_squeeze %dma_wait3A_454 : memref<1x128x64xf32, #tpu.memory_space<vmem>> -> memref<128x64xf32, #tpu.memory_space<vmem>>
      %dma_wait3A_456 = arith.constant 0 : i32
      %dma_wait3A_457 = tpu.memref_slice %arg4[%add3A_226, %dma_wait3A_456] : memref<819200x64xf32, #tpu.memory_space<hbm>> -> memref<128x64xf32, #tpu.memory_space<hbm>>
      %dma_wait3A_458 = tpu.memref_slice %arg8[%dma_wait3A_451] : memref<8x!tpu.dma_semaphore, #tpu.memory_space<semaphore_mem>> -> memref<1x!tpu.dma_semaphore, #tpu.memory_space<semaphore_mem>>
      %dma_wait3A_459 = tpu.memref_squeeze %dma_wait3A_458 : memref<1x!tpu.dma_semaphore, #tpu.memory_space<semaphore_mem>> -> memref<!tpu.dma_semaphore, #tpu.memory_space<semaphore_mem>>
      %dma_wait3A_460 = arith.constant 0 : i32
      %dma_wait3A_461 = tpu.memref_slice %arg4[%add3A_226, %dma_wait3A_460] : memref<819200x64xf32, #tpu.memory_space<hbm>> -> memref<128x64xf32, #tpu.memory_space<hbm>>
      %dma_wait3A_462 = arith.constant 0 : i32
      %dma_wait3A_463 = arith.constant 0 : i32
      %dma_wait3A_464 = tpu.memref_slice %arg6[%dma_wait3A_450, %dma_wait3A_462, %dma_wait3A_463] : memref<8x128x64xf32, #tpu.memory_space<vmem>> -> memref<1x128x64xf32, #tpu.memory_space<vmem>>
      %dma_wait3A_465 = tpu.memref_squeeze %dma_wait3A_464 : memref<1x128x64xf32, #tpu.memory_space<vmem>> -> memref<128x64xf32, #tpu.memory_space<vmem>>
      tpu.wait_dma2 semaphore(%dma_wait3A_459 : memref<!tpu.dma_semaphore, #tpu.memory_space<semaphore_mem>>) src(%dma_wait3A_465 : memref<128x64xf32, #tpu.memory_space<vmem>>) dst(%dma_wait3A_461 : memref<128x64xf32, #tpu.memory_space<hbm>>)
      %dma_wait3A_466 = arith.constant 3 : i32
      %dma_wait3A_467 = arith.constant 3 : i32
      %dma_wait3A_468 = arith.constant 0 : i32
      %dma_wait3A_469 = arith.constant 0 : i32
      %dma_wait3A_470 = tpu.memref_slice %arg6[%dma_wait3A_466, %dma_wait3A_468, %dma_wait3A_469] : memref<8x128x64xf32, #tpu.memory_space<vmem>> -> memref<1x128x64xf32, #tpu.memory_space<vmem>>
      %dma_wait3A_471 = tpu.memref_squeeze %dma_wait3A_470 : memref<1x128x64xf32, #tpu.memory_space<vmem>> -> memref<128x64xf32, #tpu.memory_space<vmem>>
      %dma_wait3A_472 = arith.constant 0 : i32
      %dma_wait3A_473 = tpu.memref_slice %arg4[%add3A_261, %dma_wait3A_472] : memref<819200x64xf32, #tpu.memory_space<hbm>> -> memref<128x64xf32, #tpu.memory_space<hbm>>
      %dma_wait3A_474 = tpu.memref_slice %arg8[%dma_wait3A_467] : memref<8x!tpu.dma_semaphore, #tpu.memory_space<semaphore_mem>> -> memref<1x!tpu.dma_semaphore, #tpu.memory_space<semaphore_mem>>
      %dma_wait3A_475 = tpu.memref_squeeze %dma_wait3A_474 : memref<1x!tpu.dma_semaphore, #tpu.memory_space<semaphore_mem>> -> memref<!tpu.dma_semaphore, #tpu.memory_space<semaphore_mem>>
      %dma_wait3A_476 = arith.constant 0 : i32
      %dma_wait3A_477 = tpu.memref_slice %arg4[%add3A_261, %dma_wait3A_476] : memref<819200x64xf32, #tpu.memory_space<hbm>> -> memref<128x64xf32, #tpu.memory_space<hbm>>
      %dma_wait3A_478 = arith.constant 0 : i32
      %dma_wait3A_479 = arith.constant 0 : i32
      %dma_wait3A_480 = tpu.memref_slice %arg6[%dma_wait3A_466, %dma_wait3A_478, %dma_wait3A_479] : memref<8x128x64xf32, #tpu.memory_space<vmem>> -> memref<1x128x64xf32, #tpu.memory_space<vmem>>
      %dma_wait3A_481 = tpu.memref_squeeze %dma_wait3A_480 : memref<1x128x64xf32, #tpu.memory_space<vmem>> -> memref<128x64xf32, #tpu.memory_space<vmem>>
      tpu.wait_dma2 semaphore(%dma_wait3A_475 : memref<!tpu.dma_semaphore, #tpu.memory_space<semaphore_mem>>) src(%dma_wait3A_481 : memref<128x64xf32, #tpu.memory_space<vmem>>) dst(%dma_wait3A_477 : memref<128x64xf32, #tpu.memory_space<hbm>>)
      %dma_wait3A_482 = arith.constant 4 : i32
      %dma_wait3A_483 = arith.constant 4 : i32
      %dma_wait3A_484 = arith.constant 0 : i32
      %dma_wait3A_485 = arith.constant 0 : i32
      %dma_wait3A_486 = tpu.memref_slice %arg6[%dma_wait3A_482, %dma_wait3A_484, %dma_wait3A_485] : memref<8x128x64xf32, #tpu.memory_space<vmem>> -> memref<1x128x64xf32, #tpu.memory_space<vmem>>
      %dma_wait3A_487 = tpu.memref_squeeze %dma_wait3A_486 : memref<1x128x64xf32, #tpu.memory_space<vmem>> -> memref<128x64xf32, #tpu.memory_space<vmem>>
      %dma_wait3A_488 = arith.constant 0 : i32
      %dma_wait3A_489 = tpu.memref_slice %arg4[%add3A_296, %dma_wait3A_488] : memref<819200x64xf32, #tpu.memory_space<hbm>> -> memref<128x64xf32, #tpu.memory_space<hbm>>
      %dma_wait3A_490 = tpu.memref_slice %arg8[%dma_wait3A_483] : memref<8x!tpu.dma_semaphore, #tpu.memory_space<semaphore_mem>> -> memref<1x!tpu.dma_semaphore, #tpu.memory_space<semaphore_mem>>
      %dma_wait3A_491 = tpu.memref_squeeze %dma_wait3A_490 : memref<1x!tpu.dma_semaphore, #tpu.memory_space<semaphore_mem>> -> memref<!tpu.dma_semaphore, #tpu.memory_space<semaphore_mem>>
      %dma_wait3A_492 = arith.constant 0 : i32
      %dma_wait3A_493 = tpu.memref_slice %arg4[%add3A_296, %dma_wait3A_492] : memref<819200x64xf32, #tpu.memory_space<hbm>> -> memref<128x64xf32, #tpu.memory_space<hbm>>
      %dma_wait3A_494 = arith.constant 0 : i32
      %dma_wait3A_495 = arith.constant 0 : i32
      %dma_wait3A_496 = tpu.memref_slice %arg6[%dma_wait3A_482, %dma_wait3A_494, %dma_wait3A_495] : memref<8x128x64xf32, #tpu.memory_space<vmem>> -> memref<1x128x64xf32, #tpu.memory_space<vmem>>
      %dma_wait3A_497 = tpu.memref_squeeze %dma_wait3A_496 : memref<1x128x64xf32, #tpu.memory_space<vmem>> -> memref<128x64xf32, #tpu.memory_space<vmem>>
      tpu.wait_dma2 semaphore(%dma_wait3A_491 : memref<!tpu.dma_semaphore, #tpu.memory_space<semaphore_mem>>) src(%dma_wait3A_497 : memref<128x64xf32, #tpu.memory_space<vmem>>) dst(%dma_wait3A_493 : memref<128x64xf32, #tpu.memory_space<hbm>>)
      %dma_wait3A_498 = arith.constant 5 : i32
      %dma_wait3A_499 = arith.constant 5 : i32
      %dma_wait3A_500 = arith.constant 0 : i32
      %dma_wait3A_501 = arith.constant 0 : i32
      %dma_wait3A_502 = tpu.memref_slice %arg6[%dma_wait3A_498, %dma_wait3A_500, %dma_wait3A_501] : memref<8x128x64xf32, #tpu.memory_space<vmem>> -> memref<1x128x64xf32, #tpu.memory_space<vmem>>
      %dma_wait3A_503 = tpu.memref_squeeze %dma_wait3A_502 : memref<1x128x64xf32, #tpu.memory_space<vmem>> -> memref<128x64xf32, #tpu.memory_space<vmem>>
      %dma_wait3A_504 = arith.constant 0 : i32
      %dma_wait3A_505 = tpu.memref_slice %arg4[%add3A_331, %dma_wait3A_504] : memref<819200x64xf32, #tpu.memory_space<hbm>> -> memref<128x64xf32, #tpu.memory_space<hbm>>
      %dma_wait3A_506 = tpu.memref_slice %arg8[%dma_wait3A_499] : memref<8x!tpu.dma_semaphore, #tpu.memory_space<semaphore_mem>> -> memref<1x!tpu.dma_semaphore, #tpu.memory_space<semaphore_mem>>
      %dma_wait3A_507 = tpu.memref_squeeze %dma_wait3A_506 : memref<1x!tpu.dma_semaphore, #tpu.memory_space<semaphore_mem>> -> memref<!tpu.dma_semaphore, #tpu.memory_space<semaphore_mem>>
      %dma_wait3A_508 = arith.constant 0 : i32
      %dma_wait3A_509 = tpu.memref_slice %arg4[%add3A_331, %dma_wait3A_508] : memref<819200x64xf32, #tpu.memory_space<hbm>> -> memref<128x64xf32, #tpu.memory_space<hbm>>
      %dma_wait3A_510 = arith.constant 0 : i32
      %dma_wait3A_511 = arith.constant 0 : i32
      %dma_wait3A_512 = tpu.memref_slice %arg6[%dma_wait3A_498, %dma_wait3A_510, %dma_wait3A_511] : memref<8x128x64xf32, #tpu.memory_space<vmem>> -> memref<1x128x64xf32, #tpu.memory_space<vmem>>
      %dma_wait3A_513 = tpu.memref_squeeze %dma_wait3A_512 : memref<1x128x64xf32, #tpu.memory_space<vmem>> -> memref<128x64xf32, #tpu.memory_space<vmem>>
      tpu.wait_dma2 semaphore(%dma_wait3A_507 : memref<!tpu.dma_semaphore, #tpu.memory_space<semaphore_mem>>) src(%dma_wait3A_513 : memref<128x64xf32, #tpu.memory_space<vmem>>) dst(%dma_wait3A_509 : memref<128x64xf32, #tpu.memory_space<hbm>>)
      %dma_wait3A_514 = arith.constant 6 : i32
      %dma_wait3A_515 = arith.constant 6 : i32
      %dma_wait3A_516 = arith.constant 0 : i32
      %dma_wait3A_517 = arith.constant 0 : i32
      %dma_wait3A_518 = tpu.memref_slice %arg6[%dma_wait3A_514, %dma_wait3A_516, %dma_wait3A_517] : memref<8x128x64xf32, #tpu.memory_space<vmem>> -> memref<1x128x64xf32, #tpu.memory_space<vmem>>
      %dma_wait3A_519 = tpu.memref_squeeze %dma_wait3A_518 : memref<1x128x64xf32, #tpu.memory_space<vmem>> -> memref<128x64xf32, #tpu.memory_space<vmem>>
      %dma_wait3A_520 = arith.constant 0 : i32
      %dma_wait3A_521 = tpu.memref_slice %arg4[%add3A_366, %dma_wait3A_520] : memref<819200x64xf32, #tpu.memory_space<hbm>> -> memref<128x64xf32, #tpu.memory_space<hbm>>
      %dma_wait3A_522 = tpu.memref_slice %arg8[%dma_wait3A_515] : memref<8x!tpu.dma_semaphore, #tpu.memory_space<semaphore_mem>> -> memref<1x!tpu.dma_semaphore, #tpu.memory_space<semaphore_mem>>
      %dma_wait3A_523 = tpu.memref_squeeze %dma_wait3A_522 : memref<1x!tpu.dma_semaphore, #tpu.memory_space<semaphore_mem>> -> memref<!tpu.dma_semaphore, #tpu.memory_space<semaphore_mem>>
      %dma_wait3A_524 = arith.constant 0 : i32
      %dma_wait3A_525 = tpu.memref_slice %arg4[%add3A_366, %dma_wait3A_524] : memref<819200x64xf32, #tpu.memory_space<hbm>> -> memref<128x64xf32, #tpu.memory_space<hbm>>
      %dma_wait3A_526 = arith.constant 0 : i32
      %dma_wait3A_527 = arith.constant 0 : i32
      %dma_wait3A_528 = tpu.memref_slice %arg6[%dma_wait3A_514, %dma_wait3A_526, %dma_wait3A_527] : memref<8x128x64xf32, #tpu.memory_space<vmem>> -> memref<1x128x64xf32, #tpu.memory_space<vmem>>
      %dma_wait3A_529 = tpu.memref_squeeze %dma_wait3A_528 : memref<1x128x64xf32, #tpu.memory_space<vmem>> -> memref<128x64xf32, #tpu.memory_space<vmem>>
      tpu.wait_dma2 semaphore(%dma_wait3A_523 : memref<!tpu.dma_semaphore, #tpu.memory_space<semaphore_mem>>) src(%dma_wait3A_529 : memref<128x64xf32, #tpu.memory_space<vmem>>) dst(%dma_wait3A_525 : memref<128x64xf32, #tpu.memory_space<hbm>>)
      %dma_wait3A_530 = arith.constant 7 : i32
      %dma_wait3A_531 = arith.constant 7 : i32
      %dma_wait3A_532 = arith.constant 0 : i32
      %dma_wait3A_533 = arith.constant 0 : i32
      %dma_wait3A_534 = tpu.memref_slice %arg6[%dma_wait3A_530, %dma_wait3A_532, %dma_wait3A_533] : memref<8x128x64xf32, #tpu.memory_space<vmem>> -> memref<1x128x64xf32, #tpu.memory_space<vmem>>
      %dma_wait3A_535 = tpu.memref_squeeze %dma_wait3A_534 : memref<1x128x64xf32, #tpu.memory_space<vmem>> -> memref<128x64xf32, #tpu.memory_space<vmem>>
      %dma_wait3A_536 = arith.constant 0 : i32
      %dma_wait3A_537 = tpu.memref_slice %arg4[%add3A_401, %dma_wait3A_536] : memref<819200x64xf32, #tpu.memory_space<hbm>> -> memref<128x64xf32, #tpu.memory_space<hbm>>
      %dma_wait3A_538 = tpu.memref_slice %arg8[%dma_wait3A_531] : memref<8x!tpu.dma_semaphore, #tpu.memory_space<semaphore_mem>> -> memref<1x!tpu.dma_semaphore, #tpu.memory_space<semaphore_mem>>
      %dma_wait3A_539 = tpu.memref_squeeze %dma_wait3A_538 : memref<1x!tpu.dma_semaphore, #tpu.memory_space<semaphore_mem>> -> memref<!tpu.dma_semaphore, #tpu.memory_space<semaphore_mem>>
      %dma_wait3A_540 = arith.constant 0 : i32
      %dma_wait3A_541 = tpu.memref_slice %arg4[%add3A_401, %dma_wait3A_540] : memref<819200x64xf32, #tpu.memory_space<hbm>> -> memref<128x64xf32, #tpu.memory_space<hbm>>
      %dma_wait3A_542 = arith.constant 0 : i32
      %dma_wait3A_543 = arith.constant 0 : i32
      %dma_wait3A_544 = tpu.memref_slice %arg6[%dma_wait3A_530, %dma_wait3A_542, %dma_wait3A_543] : memref<8x128x64xf32, #tpu.memory_space<vmem>> -> memref<1x128x64xf32, #tpu.memory_space<vmem>>
      %dma_wait3A_545 = tpu.memref_squeeze %dma_wait3A_544 : memref<1x128x64xf32, #tpu.memory_space<vmem>> -> memref<128x64xf32, #tpu.memory_space<vmem>>
      tpu.wait_dma2 semaphore(%dma_wait3A_539 : memref<!tpu.dma_semaphore, #tpu.memory_space<semaphore_mem>>) src(%dma_wait3A_545 : memref<128x64xf32, #tpu.memory_space<vmem>>) dst(%dma_wait3A_541 : memref<128x64xf32, #tpu.memory_space<hbm>>)
    }
    %scan3A_6 = arith.constant 25 : i32
    return
  }
}

</mosaic_0001>

<sc_bundles>
// kernel: kernel.3.cloned.1.call-start
scs
__scs_entry_jumppad:
0x0: {  	(pc) =	sbr.rel $0x88, $3  }
0x1: {  	(tag) =	ssettag $0x0;
	lr =	simm.s32 $0x1  }
0x2: {  	[smem:$0x3F9F] =	sst lr;
	_ =	strace $0xD0000000  }
0x3: {  	_ = 	snop  }
0x4: {  	_ = 	snop  }
0x5: {  	_ = 	snop  }
0x6: {  	_ = 	snop  }
0x7: {  	_ = 	snop  }
__scs_overlays_trampoline_lowered:
0x8: {  	[smem:$0x3FAE] =	sst s0  }
0x9: {  	[smem:$0x3FAF] =	sst s1  }
0xa: {  	[smem:$0x3FB0] =	sst s2  }
0xb: {  	[smem:$0x3FB1] =	sst s3  }
0xc: {  	[smem:$0x3FB2] =	sst s4  }
0xd: {  	[smem:$0x3FB3] =	sst s5  }
0xe: {  	[smem:$0x3FB4] =	sst s6  }
0xf: {  	[smem:$0x3FB5] =	sst s7  }
0x10: {  	[smem:$0x3FB6] =	sst s8  }
0x11: {  	[smem:$0x3FB7] =	sst s9;
	s0 =	simm.s32 @!p0 $0x0  }
0x12: {  	s1 =	sld [smem:$0x3F9D];
	s0 =	simm.s32 @p0 $0x1  }
0x13: {  	[smem:$0x3FB8] =	sst s0;
	s0 =	simm.s32 @!p1 $0x0  }
0x14: {  	s2 =	sld [smem:$0x3F9C];
	s0 =	simm.s32 @p1 $0x1  }
0x15: {  	[smem:$0x3FB9] =	sst s0;
	s0 =	simm.s32 @!p2 $0x0  }
0x16: {  	s3 =	sld [smem:$0x3FDB];
	s0 =	simm.s32 @p2 $0x1  }
0x17: {  	s4 =	simm.s32 $0x1BF5;
	[smem:$0x3FBB] =	sst s0  }
0x18: {  	s0 =	sld [smem:$0x3F9E];
	_ =	swait.ge [sflag:s4], $0x0  }
0x19: {  	s7 =	sld [smem:$0x3F9F]  }
0x1a: {  	s8 =	sadd.s32 $0xFFFFE003, lr  }
0x1b: {  	s9 =	sadd.s32 $0xFFFFFEF7, lr;
	s5 =	simm.s32 $0xFFFFFFFF;
	p2 =	slt.u32 s8, $0xFFFFF086  }
0x1c: {  	p1 =	slt.u32 s9, $0xF7A;
	s5 =	simm.s32 @!p2 $0x0  }
0x1d: {  	s5 =	simm.s32 @p1 $0x1;
	p0 =	seq.s32 s7, s2  }
0x1e: {  	s7 =	smul.u32 @!p0 $0xF7A, s2;
	p2 =	seq.s32 @!p0 s5, $0x0  }
0x1f: {  	s9 =	smul.u32 $0xF7A, s1;
	s8 =	simm.s32 @!p0 $0x1BF5;
	p2 =	por !p2, p0  }
0x20: {  	[sflag:s8] =	ssyncset.s32 @!p0 $0xFFFFF086;
	s6 =	sadd.s32 @!p0 s3, s7;
	s7 =	simm.s32 @!p0 $0x108  }
0x21: {  	s3 =	sadd.s32 s3, s9;
	s6 =	sadd.s32 @!p0 $0x88, s6;
	s7 =	simm.s32 @p2 $0x1082  }
0x22: {  	[simem:s7], [sflag:s8] =	dma.local @!p0 [hbm:s6], $0xF7A  }
0x23: {  	s9 =	sor.u32 $0xD0000000, s2;
	s6 =	simm.s32 $0x108;
	_ =	swait.ge @!p0 [sflag:s8], $0x0  }
0x24: {  	s3 =	sadd.s32 $0x88, s3;
	s6 =	simm.s32 @!p1 $0x1082;
	[sflag:s4] =	ssyncset.s32 $0xFFFFF086  }
0x25: {  	[simem:s6], [sflag:s4] =	dma.local [hbm:s3], $0xF7A  }
0x26: {  	[smem:$0x3F9F] =	sst s1;
	(tag) =	ssettag s2;
	_ =	strace s9  }
0x27: {  	s1 =	sld [smem:$0x3FAF]  }
0x28: {  	s2 =	sld [smem:$0x3FB0]  }
0x29: {  	s4 =	sld [smem:$0x3FB2]  }
0x2a: {  	p0 =	seq.s32 s5, $0x0;
	s5 =	sld [smem:$0x3FB3]  }
0x2b: {  	s6 =	sld [smem:$0x3FB4]  }
0x2c: {  	s7 =	sld [smem:$0x3FB5]  }
0x2d: {  	s3 =	simm.s32 $0x108;
	s8 =	sld [smem:$0x3FB6]  }
0x2e: {  	s3 =	simm.s32 @!p0 $0x1082;
	s9 =	sld [smem:$0x3FB7]  }
0x2f: {  	lr =	sadd.s32 s0, s3;
	s0 =	sld [smem:$0x3FAE]  }
0x30: {  	s3 =	sld [smem:$0x3FB1]  }
0x31: {  	[smem:$0x3FBA] =	sst s10  }
0x32: {  	s10 =	sld [smem:$0x3FB8];
	_ =	sdelay $0x3  }
0x33: {  	p0 =	seq.s32 s10, $0x1;
	s10 =	sld [smem:$0x3FBA];
	_ =	sdelay $0x3  }
0x34: {  	[smem:$0x3FBA] =	sst s10  }
0x35: {  	s10 =	sld [smem:$0x3FB9];
	_ =	sdelay $0x3  }
0x36: {  	p1 =	seq.s32 s10, $0x1;
	s10 =	sld [smem:$0x3FBA];
	_ =	sdelay $0x3  }
0x37: {  	[smem:$0x3FBA] =	sst s10  }
0x38: {  	s10 =	sld [smem:$0x3FBB]  }
0x39: {  	_ = 	snop;
	(pc) =	sbr.ind lr, $3  }
0x3a: {  	_ = 	snop  }
0x3b: {  	_ = 	snop  }
0x3c: {  	p2 =	seq.s32 s10, $0x1;
	s10 =	sld [smem:$0x3FBA]  }
0x3d: {  	_ =	shalt  }
0x3e: {  	_ =	shalt  }
0x3f: {  	_ =	shalt  }
0x40: {  	_ =	shalt  }
0x41: {  	_ =	shalt  }
0x42: {  	_ =	shalt  }
0x43: {  	_ =	shalt  }
0x44: {  	_ =	shalt  }
0x45: {  	_ =	shalt  }
0x46: {  	_ =	shalt  }
0x47: {  	_ =	shalt  }
0x48: {  	_ =	shalt  }
0x49: {  	_ =	shalt  }
0x4a: {  	_ =	shalt  }
0x4b: {  	_ =	shalt  }
0x4c: {  	_ =	shalt  }
0x4d: {  	_ =	shalt  }
0x4e: {  	_ =	shalt  }
0x4f: {  	_ =	shalt  }
0x50: {  	_ =	shalt  }
0x51: {  	_ =	shalt  }
0x52: {  	_ =	shalt  }
0x53: {  	_ =	shalt  }
0x54: {  	_ =	shalt  }
0x55: {  	_ =	shalt  }
0x56: {  	_ =	shalt  }
0x57: {  	_ =	shalt  }
0x58: {  	_ =	shalt  }
0x59: {  	_ =	shalt  }
0x5a: {  	_ =	shalt  }
0x5b: {  	_ =	shalt  }
0x5c: {  	_ =	shalt  }
0x5d: {  	_ =	shalt  }
0x5e: {  	_ =	shalt  }
0x5f: {  	_ =	shalt  }
0x60: {  	_ =	shalt  }
0x61: {  	_ =	shalt  }
0x62: {  	_ =	shalt  }
0x63: {  	_ =	shalt  }
0x64: {  	_ =	shalt  }
0x65: {  	_ =	shalt  }
0x66: {  	_ =	shalt  }
0x67: {  	_ =	shalt  }
0x68: {  	_ =	shalt  }
0x69: {  	_ =	shalt  }
0x6a: {  	_ =	shalt  }
0x6b: {  	_ =	shalt  }
0x6c: {  	_ =	shalt  }
0x6d: {  	_ =	shalt  }
0x6e: {  	_ =	shalt  }
0x6f: {  	_ =	shalt  }
0x70: {  	_ =	shalt  }
0x71: {  	_ =	shalt  }
0x72: {  	_ =	shalt  }
0x73: {  	_ =	shalt  }
0x74: {  	_ =	shalt  }
0x75: {  	_ =	shalt  }
0x76: {  	_ =	shalt  }
0x77: {  	_ =	shalt  }
0x78: {  	_ =	shalt  }
0x79: {  	_ =	shalt  }
0x7a: {  	_ =	shalt  }
0x7b: {  	_ =	shalt  }
0x7c: {  	_ =	shalt  }
0x7d: {  	_ =	shalt  }
0x7e: {  	_ =	shalt  }
0x7f: {  	_ =	shalt  }
0x80: {  	_ =	shalt  }
0x81: {  	_ =	shalt  }
0x82: {  	_ =	shalt  }
0x83: {  	_ =	shalt  }
0x84: {  	_ =	shalt  }
0x85: {  	_ =	shalt  }
0x86: {  	_ =	shalt  }
0x87: {  	_ =	shalt  }
.Lfunc_end0:
.L_simem_size_0:
called_computation.1_lowered:
.L_overlay_start_0:
0x88: {  	s2 =	sld [smem:$0x3FD9]  }
0x89: {  	s3 =	sld [smem:$0x3FFE];
	_ =	sdelay $0x1  }
0x8a: {  	s1 =	srdreg.scid  }
0x8b: {  	s0 =	sand.u32 $0x1, s1  }
0x8c: {  	s17 =	sshll.u32 s0, $0xA;
	s2 =	sadd.s32 s3, s2  }
0x8d: {  	s2 =	sadd.s32 s2, s17  }
0x8e: {  	[smem:$0x3FC6] =	sst s2  }
0x8f: {  	_ = 	snop  }
0x90: {  	s2 =	sld [smem:$0x3FD0];
	(tm) =	ssettm $0x1  }
0x91: {  	s18 =	sld [smem:$0x3FFB];
	_ =	sdelay $0x3  }
0x92: {  	_ =	strace s18  }
0x93: {  	s3 =	sld [smem:$0x3FFC];
	_ =	sdelay $0x3  }
0x94: {  	_ =	strace s3  }
0x95: {  	s3 =	sld [smem:$0x3FFD];
	_ =	sdelay $0x3  }
0x96: {  	_ =	strace s3  }
0x97: {  	_ =	strace $0x8FFFFFFF  }
0x98: {  	s19 =	sld [smem:$0x3FDB];
	_ =	sdelay $0x1  }
0x99: {  	s4 =	simm.s32 $_scs_section_size  }
0x9a: {  	s5 =	simm.s32 $_size__tile_overlayer_lowered;
	s6 =	simm.s32 $_tile_overlayer_lowered  }
0x9b: {  	s22 =	simm.s32 $0x1BFF;
	s21 =	sshll.u32 s6, $0x1;
	s3 =	sadd.s32 s4, s19  }
0x9c: {  	s7 =	simm.s32 $0x0;
	s20 =	sshll.u32 s5, $0x1;
	s5 =	sadd.s32 s21, s3  }
0x9d: {  	[timem:s7], [sflag:s22] =	dma.local [hbm:s5], s20  }
0x9e: {  	_ =	swait.ge [sflag:s22], s20  }
0x9f: {  	s4 =	ssub.s32 $0x0, s20;
	[sflag:s22] =	ssyncset.done $0x0  }
0xa0: {  	[sflag:s22] =	ssyncadd.s32 s4;
	_ =	sdelay $0x1  }
0xa1: {  	s23 =	simm.s32 $0x1B8B  }
0xa2: {  	_ =	swait.ge [sflag:s23], $0x1  }
0xa3: {  	[sflag:s23] =	ssyncset.done $0x0  }
0xa4: {  	s25 =	simm.s32 $0x1B8E;
	s24 =	sld [smem:$0x3FFE];
	[sflag:s23] =	ssyncadd.s32 $0xFFFFFFFF  }
0xa5: {  	s26 =	simm.s32 $execute0_lowered;
	[smem:$0x3FD2] =	sst s25  }
0xa6: {  	s5 =	sshll.u32 s26, $0x1;
	_ =	strace $0x80000046;
	[dreg:$0x1] =	wrdreg $0xFFFFFFFF  }
0xa7: {  	s28 =	simm.s32 $_size_execute0_lowered;
	s3 =	sadd.s32 s3, s5;
	[dreg:$0x0] =	wrdreg $0x0  }
0xa8: {  	s5 =	sshll.u32 s28, $0x1;
	[dreg:$0x2] =	wrdreg s3  }
0xa9: {  	[dreg:$0x3] =	wrdreg s5  }
0xaa: {  	[dreg:$0x4] =	wrdreg $0xC0  }
0xab: {  	_ =	task [dreg:s7], $0x5FFFF  }
0xac: {  	[dreg:$0x1] =	wrdreg $0xFFFFFFFF  }
0xad: {  	[dreg:$0x0] =	wrdreg $0x60  }
0xae: {  	[dreg:$0x2] =	wrdreg s24  }
0xaf: {  	[dreg:$0x3] =	wrdreg s2  }
0xb0: {  	[dreg:$0x4] =	wrdreg $0x9  }
0xb1: {  	_ =	task.clear_ibuf [dreg:s7], $0x5FFFF;
	_ =	strace $0x90000046  }
0xb2: {  	s29 =	simm.s32 $0x9;
	_ =	strace $0x80000048  }
0xb3: {  	_ =	swait.ge [sflag:s29], $0x1  }
0xb4: {  	[sflag:s29] =	ssyncadd.s32 $0xFFFFFFFF  }
0xb5: {  	_ =	strace $0x90000048  }
0xb6: {  	_ =	sfence  }
0xb7: {  	s30 =	sld [smem:$0x0];
	_ =	sdelay $0x2  }
0xb8: {  	s31 =	sshll.u32 s1, $0xD;
	s1 =	sshrl.u32 s1, $0x2  }
0xb9: {  	s3 =	sand.u32 $0x4000, s31;
	s1 =	sadd.s32 s1, s30  }
0xba: {  	s0 =	sor.u32 s3, s0;
	s1 =	sshll.u32 s1, $0x11  }
0xbb: {  	s0 =	sor.u32 s1, s0  }
0xbc: {  	s0 =	sadd.s32 $0x8F2B, s0  }
0xbd: {  	[sflag:s0] =	ssyncadd.remote.s32 $0x1  }
0xbe: {  	_ =	sfence.sel $0xFFFF  }
0xbf: {  	[dreg:$0x0] =	wrdreg $0xFFFFFFFF;
	(pc) =	sbr.abs _section_cstart, $3  }
0xc0: {  	[dreg:$0x1] =	wrdreg $0xFFFFFFFF  }
0xc1: {  	_ =	task.clear_ibuf [dreg:s7], $0x2FFFF;
	_ =	strace $0x9FFFFFFF  }
0xc2: {  	(tm) =	ssettm $0x7FFFFFFF  }
0xc3: {  	_ =	shalt  }
tec
execute0_lowered:
.L_overlay_start_1:
0x0: {  	(tag) =	ssettag $0x1  }
0x1: {  	s0 =	srdreg.scid  }
0x2: {  	s8 =	stileid.u32;
	s4 =	rddreg [dreg:$0x0]  }
0x3: {  	s5 =	rddreg [dreg:$0x1];
	s2 =	simm.s32 $0x0;
	s9 =	simm.s32 $0x8400  }
0x4: {  	s10 =	simm.s32 $0xA400;
	s11 =	simm.s32 $0xC400;
	s12 =	simm.s32 $0xE400  }
0x5: {  	s13 =	simm.s32 $0x10400;
	s14 =	simm.s32 $0x12400;
	s15 =	simm.s32 $0x14400  }
0x6: {  	s16 =	simm.s32 $0x1;
	s28 =	simm.s32 $0xC;
	s1 =	smul.u32 $0x320000, s8  }
0x7: {  	s29 =	simm.s32 $0xD;
	s0 =	sand.u32 $0x1, s0;
	s6 =	smul.u32 $0xC800, s8  }
0x8: {  	s30 =	simm.s32 $0xE;
	s31 =	simm.s32 $0xF;
	s3 =	smul.u32 $0x190000, s0  }
0x9: {  	[smem:$0x7FF] =	sst s2;
	s18 =	sshll.u32 s8, $0x1;
	s7 =	smul.u32 $0x6400, s0  }
0xa: {  	s8 =	simm.s32 $0x6400;
	_ =	strace $0x80000047;
	s1 =	sadd.s32 s3, s1  }
0xb: {  	s17 =	sadd.s32 s7, s6;
	s6 =	sor.u32 s0, s18;
	s0 =	ssub.s32 $0x2, s0  }
0xc: {  	s7 =	simm.s32 $0x80;
	s1 =	sshrl.u32 s1, $0x3;
	s3 =	sshll.u32 s17, $0x3  }
0xd: {  	s18 =	simm.s32 $0x3;
	s1 =	sadd.s32 s1, s5;
	s5 =	sadd.s32 s3, s5  }
0xe: {  	s6 =	smul.u32 $0x6400, s6;
	[dreg:$0x3] =	wrdreg s1;
	s19 =	sadd.s32 $0x1800, s5  }
0xf: {  	s24 =	sshrl.u32 s0, $0x1;
	s20 =	sadd.s32 $0x1400, s5;
	[dreg:$0x4] =	wrdreg s19  }
0x10: {  	s17 =	simm.s32 $0x2;
	s21 =	sadd.s32 $0x1000, s5;
	[dreg:$0x5] =	wrdreg s20  }
0x11: {  	s3 =	sadd.s32 $0xF42E00, s4;
	s22 =	sadd.s32 $0xC00, s5;
	[dreg:$0x6] =	wrdreg s21  }
0x12: {  	s0 =	ssub.s32 s0, s24;
	s23 =	sadd.s32 $0x800, s5;
	[dreg:$0x7] =	wrdreg s22  }
0x13: {  	s24 =	simm.s32 $0x9;
	s25 =	sadd.s32 $0x400, s5;
	[dreg:$0x8] =	wrdreg s23  }
0x14: {  	s6 =	sshrl.u32 s6, $0x3;
	s0 =	smax.u32 s0, $0x1;
	[dreg:$0x9] =	wrdreg s25  }
0x15: {  	s26 =	sadd.s32 $0x1C00, s5;
	s1 =	simm.s32 $0x10;
	[dreg:$0xc] =	wrdreg s0  }
0x16: {  	s4 =	sadd.s32 s6, s4;
	[dreg:$0xa] =	wrdreg s26;
	s19 =	simm.s32 $0x4  }
0x17: {  	s20 =	simm.s32 $0x5;
	s21 =	simm.s32 $0x6;
	s22 =	simm.s32 $0x7  }
0x18: {  	s23 =	simm.s32 $0x8;
	s25 =	simm.s32 $0xA;
	s4 =	sadd.s32 $0xA00, s4  }
0x19: {  	s26 =	simm.s32 $0xB;
	[dreg:$0xb] =	wrdreg s4;
	s4 =	simm.s32 $0x0  }
.LBB2_1:
0x1a: {  	[dreg:$0xd] =	wrdreg s4  }
0x1b: {  	s0 =	rddreg [dreg:$0xb];
	s6 =	simm.s32 $0x11  }
0x1c: {  	[tilespmem:s2], [sflag:$0x11] =	stream.linear.gather [hbm4b:s0+s2], $0x6400, $0x38;
	[tilespmem:$0x16400] =	vst v63  }
0x1d: {  	_ =	swait.ge [sflag:s6], $0x6400  }
0x1e: {  	[sflag:s6] =	ssyncset.done $0x0  }
0x1f: {  	[sflag:s6] =	ssyncadd.s32 $0xFFFF9C00  }
0x20: {  	[tilespmem:s8], [sflag:$0x1] =	stream.indirect.gather [hbm4b:s3+s7], $0x40, s2, s7, $0xb8;
	[tilespmem:$0x16400] =	vst v63  }
0x21: {  	s0 =	simm.s32 $0x80  }
0x22: {  	[tilespmem:s9], [sflag:$0x2] =	stream.indirect.gather [hbm4b:s3+s7], $0x40, s0, s7, $0xb8;
	[tilespmem:$0x16400] =	vst v63  }
0x23: {  	s5 =	simm.s32 $0x100  }
0x24: {  	[tilespmem:s10], [sflag:$0x3] =	stream.indirect.gather [hbm4b:s3+s7], $0x40, s5, s7, $0xb8;
	[tilespmem:$0x16400] =	vst v63  }
0x25: {  	s6 =	simm.s32 $0x180  }
0x26: {  	[tilespmem:s11], [sflag:$0x4] =	stream.indirect.gather [hbm4b:s3+s7], $0x40, s6, s7, $0xb8;
	[tilespmem:$0x16400] =	vst v63  }
0x27: {  	s0 =	simm.s32 $0x200  }
0x28: {  	[tilespmem:s12], [sflag:$0x5] =	stream.indirect.gather [hbm4b:s3+s7], $0x40, s0, s7, $0xb8;
	[tilespmem:$0x16400] =	vst v63  }
0x29: {  	s5 =	simm.s32 $0x280  }
0x2a: {  	[tilespmem:s13], [sflag:$0x6] =	stream.indirect.gather [hbm4b:s3+s7], $0x40, s5, s7, $0xb8;
	[tilespmem:$0x16400] =	vst v63  }
0x2b: {  	s6 =	simm.s32 $0x300  }
0x2c: {  	[tilespmem:s14], [sflag:$0x7] =	stream.indirect.gather [hbm4b:s3+s7], $0x40, s6, s7, $0xb8;
	[tilespmem:$0x16400] =	vst v63  }
0x2d: {  	s0 =	simm.s32 $0x380  }
0x2e: {  	[tilespmem:s15], [sflag:$0x8] =	stream.indirect.gather [hbm4b:s3+s7], $0x40, s0, s7, $0xb8;
	[tilespmem:$0x16400] =	vst v63  }
0x2f: {  	_ =	swait.ge [sflag:s16], $0x2000  }
0x30: {  	s5 =	rddreg [dreg:$0x3];
	[sflag:s16] =	ssyncset.done $0x0  }
0x31: {  	[sflag:s16] =	ssyncadd.s32 $0xFFFFE000;
	s4 =	sadd.s32 $0x0, s5  }
0x32: {  	[hbm4b:s4+s2] =	stream.linear.scatter [tilespmem:s8], [sflag:$0x9], $0x2000, $0x38;
	[tilespmem:$0x16400] =	vst v63  }
0x33: {  	_ =	swait.ge [sflag:s17], $0x2000  }
0x34: {  	s6 =	rddreg [dreg:$0x9];
	[sflag:s17] =	ssyncset.done $0x0  }
0x35: {  	[sflag:s17] =	ssyncadd.s32 $0xFFFFE000;
	s4 =	sadd.s32 $0x0, s6  }
0x36: {  	[hbm4b:s4+s2] =	stream.linear.scatter [tilespmem:s9], [sflag:$0xA], $0x2000, $0x38;
	[tilespmem:$0x16400] =	vst v63  }
0x37: {  	_ =	swait.ge [sflag:s18], $0x2000  }
0x38: {  	s0 =	rddreg [dreg:$0x8];
	[sflag:s18] =	ssyncset.done $0x0  }
0x39: {  	[sflag:s18] =	ssyncadd.s32 $0xFFFFE000;
	s4 =	sadd.s32 $0x0, s0  }
0x3a: {  	[hbm4b:s4+s2] =	stream.linear.scatter [tilespmem:s10], [sflag:$0xB], $0x2000, $0x38;
	[tilespmem:$0x16400] =	vst v63  }
0x3b: {  	_ =	swait.ge [sflag:s19], $0x2000  }
0x3c: {  	s5 =	rddreg [dreg:$0x7];
	[sflag:s19] =	ssyncset.done $0x0  }
0x3d: {  	[sflag:s19] =	ssyncadd.s32 $0xFFFFE000;
	s4 =	sadd.s32 $0x0, s5  }
0x3e: {  	[hbm4b:s4+s2] =	stream.linear.scatter [tilespmem:s11], [sflag:$0xC], $0x2000, $0x38;
	[tilespmem:$0x16400] =	vst v63  }
0x3f: {  	_ =	swait.ge [sflag:s20], $0x2000  }
0x40: {  	s6 =	rddreg [dreg:$0x6];
	[sflag:s20] =	ssyncset.done $0x0  }
0x41: {  	[sflag:s20] =	ssyncadd.s32 $0xFFFFE000;
	s4 =	sadd.s32 $0x0, s6  }
0x42: {  	[hbm4b:s4+s2] =	stream.linear.scatter [tilespmem:s12], [sflag:$0xD], $0x2000, $0x38;
	[tilespmem:$0x16400] =	vst v63  }
0x43: {  	_ =	swait.ge [sflag:s21], $0x2000  }
0x44: {  	s0 =	rddreg [dreg:$0x5];
	[sflag:s21] =	ssyncset.done $0x0  }
0x45: {  	[sflag:s21] =	ssyncadd.s32 $0xFFFFE000;
	s4 =	sadd.s32 $0x0, s0  }
0x46: {  	[hbm4b:s4+s2] =	stream.linear.scatter [tilespmem:s13], [sflag:$0xE], $0x2000, $0x38;
	[tilespmem:$0x16400] =	vst v63  }
0x47: {  	_ =	swait.ge [sflag:s22], $0x2000  }
0x48: {  	s5 =	rddreg [dreg:$0x4];
	[sflag:s22] =	ssyncset.done $0x0  }
0x49: {  	[sflag:s22] =	ssyncadd.s32 $0xFFFFE000;
	s4 =	sadd.s32 $0x0, s5  }
0x4a: {  	[hbm4b:s4+s2] =	stream.linear.scatter [tilespmem:s14], [sflag:$0xF], $0x2000, $0x38;
	[tilespmem:$0x16400] =	vst v63  }
0x4b: {  	_ =	swait.ge [sflag:s23], $0x2000  }
0x4c: {  	s6 =	rddreg [dreg:$0xa];
	[sflag:s23] =	ssyncset.done $0x0  }
0x4d: {  	[sflag:s23] =	ssyncadd.s32 $0xFFFFE000;
	s4 =	sadd.s32 $0x0, s6  }
0x4e: {  	[hbm4b:s4+s2] =	stream.linear.scatter [tilespmem:s15], [sflag:$0x10], $0x2000, $0x38;
	[tilespmem:$0x16400] =	vst v63  }
0x4f: {  	_ =	swait.ge [sflag:s24], $0x2000  }
0x50: {  	[sflag:s24] =	ssyncset.done $0x0  }
0x51: {  	[sflag:s24] =	ssyncadd.s32 $0xFFFFE000  }
0x52: {  	_ =	swait.ge [sflag:s25], $0x2000  }
0x53: {  	[sflag:s25] =	ssyncset.done $0x0  }
0x54: {  	[sflag:s25] =	ssyncadd.s32 $0xFFFFE000  }
0x55: {  	_ =	swait.ge [sflag:s26], $0x2000  }
0x56: {  	[sflag:s26] =	ssyncset.done $0x0  }
0x57: {  	[sflag:s26] =	ssyncadd.s32 $0xFFFFE000  }
0x58: {  	_ =	swait.ge [sflag:s28], $0x2000  }
0x59: {  	[sflag:s28] =	ssyncset.done $0x0  }
0x5a: {  	[sflag:s28] =	ssyncadd.s32 $0xFFFFE000  }
0x5b: {  	_ =	swait.ge [sflag:s29], $0x2000  }
0x5c: {  	[sflag:s29] =	ssyncset.done $0x0  }
0x5d: {  	[sflag:s29] =	ssyncadd.s32 $0xFFFFE000  }
0x5e: {  	_ =	swait.ge [sflag:s30], $0x2000  }
0x5f: {  	[sflag:s30] =	ssyncset.done $0x0  }
0x60: {  	[sflag:s30] =	ssyncadd.s32 $0xFFFFE000  }
0x61: {  	_ =	swait.ge [sflag:s31], $0x2000  }
0x62: {  	[sflag:s31] =	ssyncset.done $0x0  }
0x63: {  	[sflag:s31] =	ssyncadd.s32 $0xFFFFE000  }
0x64: {  	_ =	swait.ge [sflag:s1], $0x2000  }
0x65: {  	s5 =	simm.s32 $0x0;
	s4 =	simm.s32 $0x2000;
	[sflag:s1] =	ssyncset.done $0x0  }
.LBB2_2:
0x66: {  	[sflag:s1] =	ssyncadd.s32 $0xFFFFE000;
	s5 =	sadd.s32 $0x400, s5  }
0x67: {  	[tilespmem:s8], [sflag:$0x1] =	stream.indirect.gather [hbm4b:s3+s7], $0x40, s5, s7, $0xb8;
	[tilespmem:$0x16400] =	vst v63  }
0x68: {  	s0 =	sadd.s32 $0x80, s5  }
0x69: {  	[tilespmem:s9], [sflag:$0x2] =	stream.indirect.gather [hbm4b:s3+s7], $0x40, s0, s7, $0xb8;
	[tilespmem:$0x16400] =	vst v63  }
0x6a: {  	s0 =	sadd.s32 $0x100, s5  }
0x6b: {  	[tilespmem:s10], [sflag:$0x3] =	stream.indirect.gather [hbm4b:s3+s7], $0x40, s0, s7, $0xb8;
	[tilespmem:$0x16400] =	vst v63  }
0x6c: {  	s0 =	sadd.s32 $0x180, s5  }
0x6d: {  	[tilespmem:s11], [sflag:$0x4] =	stream.indirect.gather [hbm4b:s3+s7], $0x40, s0, s7, $0xb8;
	[tilespmem:$0x16400] =	vst v63  }
0x6e: {  	s0 =	sadd.s32 $0x200, s5  }
0x6f: {  	[tilespmem:s12], [sflag:$0x5] =	stream.indirect.gather [hbm4b:s3+s7], $0x40, s0, s7, $0xb8;
	[tilespmem:$0x16400] =	vst v63  }
0x70: {  	s0 =	sadd.s32 $0x280, s5  }
0x71: {  	[tilespmem:s13], [sflag:$0x6] =	stream.indirect.gather [hbm4b:s3+s7], $0x40, s0, s7, $0xb8;
	[tilespmem:$0x16400] =	vst v63  }
0x72: {  	s0 =	sadd.s32 $0x300, s5  }
0x73: {  	[tilespmem:s14], [sflag:$0x7] =	stream.indirect.gather [hbm4b:s3+s7], $0x40, s0, s7, $0xb8;
	[tilespmem:$0x16400] =	vst v63  }
0x74: {  	s0 =	sadd.s32 $0x380, s5  }
0x75: {  	[tilespmem:s15], [sflag:$0x8] =	stream.indirect.gather [hbm4b:s3+s7], $0x40, s0, s7, $0xb8;
	[tilespmem:$0x16400] =	vst v63  }
0x76: {  	_ =	swait.ge [sflag:s16], $0x2000  }
0x77: {  	s6 =	smov.u32 s4;
	s0 =	rddreg [dreg:$0x3];
	[sflag:s16] =	ssyncset.done $0x0  }
0x78: {  	[sflag:s16] =	ssyncadd.s32 $0xFFFFE000;
	s0 =	sadd.s32 s6, s0  }
0x79: {  	[hbm4b:s0+s2] =	stream.linear.scatter [tilespmem:s8], [sflag:$0x9], $0x2000, $0x38;
	[tilespmem:$0x16400] =	vst v63  }
0x7a: {  	_ =	swait.ge [sflag:s17], $0x2000  }
0x7b: {  	s0 =	rddreg [dreg:$0x9];
	[sflag:s17] =	ssyncset.done $0x0  }
0x7c: {  	[sflag:s17] =	ssyncadd.s32 $0xFFFFE000;
	s0 =	sadd.s32 s6, s0  }
0x7d: {  	[hbm4b:s0+s2] =	stream.linear.scatter [tilespmem:s9], [sflag:$0xA], $0x2000, $0x38;
	[tilespmem:$0x16400] =	vst v63  }
0x7e: {  	_ =	swait.ge [sflag:s18], $0x2000  }
0x7f: {  	s0 =	rddreg [dreg:$0x8];
	[sflag:s18] =	ssyncset.done $0x0  }
0x80: {  	[sflag:s18] =	ssyncadd.s32 $0xFFFFE000;
	s0 =	sadd.s32 s6, s0  }
0x81: {  	[hbm4b:s0+s2] =	stream.linear.scatter [tilespmem:s10], [sflag:$0xB], $0x2000, $0x38;
	[tilespmem:$0x16400] =	vst v63  }
0x82: {  	_ =	swait.ge [sflag:s19], $0x2000  }
0x83: {  	s0 =	rddreg [dreg:$0x7];
	[sflag:s19] =	ssyncset.done $0x0  }
0x84: {  	[sflag:s19] =	ssyncadd.s32 $0xFFFFE000;
	s0 =	sadd.s32 s6, s0  }
0x85: {  	[hbm4b:s0+s2] =	stream.linear.scatter [tilespmem:s11], [sflag:$0xC], $0x2000, $0x38;
	[tilespmem:$0x16400] =	vst v63  }
0x86: {  	_ =	swait.ge [sflag:s20], $0x2000  }
0x87: {  	s0 =	rddreg [dreg:$0x6];
	[sflag:s20] =	ssyncset.done $0x0  }
0x88: {  	[sflag:s20] =	ssyncadd.s32 $0xFFFFE000;
	s0 =	sadd.s32 s6, s0  }
0x89: {  	[hbm4b:s0+s2] =	stream.linear.scatter [tilespmem:s12], [sflag:$0xD], $0x2000, $0x38;
	[tilespmem:$0x16400] =	vst v63  }
0x8a: {  	_ =	swait.ge [sflag:s21], $0x2000  }
0x8b: {  	s0 =	rddreg [dreg:$0x5];
	[sflag:s21] =	ssyncset.done $0x0  }
0x8c: {  	[sflag:s21] =	ssyncadd.s32 $0xFFFFE000;
	s0 =	sadd.s32 s6, s0  }
0x8d: {  	[hbm4b:s0+s2] =	stream.linear.scatter [tilespmem:s13], [sflag:$0xE], $0x2000, $0x38;
	[tilespmem:$0x16400] =	vst v63  }
0x8e: {  	_ =	swait.ge [sflag:s22], $0x2000  }
0x8f: {  	s0 =	rddreg [dreg:$0x4];
	[sflag:s22] =	ssyncset.done $0x0  }
0x90: {  	[sflag:s22] =	ssyncadd.s32 $0xFFFFE000;
	s0 =	sadd.s32 s6, s0  }
0x91: {  	[hbm4b:s0+s2] =	stream.linear.scatter [tilespmem:s14], [sflag:$0xF], $0x2000, $0x38;
	[tilespmem:$0x16400] =	vst v63  }
0x92: {  	_ =	swait.ge [sflag:s23], $0x2000  }
0x93: {  	s0 =	rddreg [dreg:$0xa];
	[sflag:s23] =	ssyncset.done $0x0  }
0x94: {  	[sflag:s23] =	ssyncadd.s32 $0xFFFFE000;
	s0 =	sadd.s32 s6, s0  }
0x95: {  	[hbm4b:s0+s2] =	stream.linear.scatter [tilespmem:s15], [sflag:$0x10], $0x2000, $0x38;
	[tilespmem:$0x16400] =	vst v63  }
0x96: {  	_ =	swait.ge [sflag:s24], $0x2000  }
0x97: {  	[sflag:s24] =	ssyncset.done $0x0  }
0x98: {  	[sflag:s24] =	ssyncadd.s32 $0xFFFFE000  }
0x99: {  	_ =	swait.ge [sflag:s25], $0x2000  }
0x9a: {  	[sflag:s25] =	ssyncset.done $0x0  }
0x9b: {  	[sflag:s25] =	ssyncadd.s32 $0xFFFFE000  }
0x9c: {  	_ =	swait.ge [sflag:s26], $0x2000  }
0x9d: {  	[sflag:s26] =	ssyncset.done $0x0  }
0x9e: {  	[sflag:s26] =	ssyncadd.s32 $0xFFFFE000  }
0x9f: {  	_ =	swait.ge [sflag:s28], $0x2000  }
0xa0: {  	[sflag:s28] =	ssyncset.done $0x0  }
0xa1: {  	[sflag:s28] =	ssyncadd.s32 $0xFFFFE000  }
0xa2: {  	_ =	swait.ge [sflag:s29], $0x2000  }
0xa3: {  	[sflag:s29] =	ssyncset.done $0x0  }
0xa4: {  	[sflag:s29] =	ssyncadd.s32 $0xFFFFE000  }
0xa5: {  	_ =	swait.ge [sflag:s30], $0x2000  }
0xa6: {  	[sflag:s30] =	ssyncset.done $0x0  }
0xa7: {  	p0 =	sne.s32 s4, $0x30000;
	[sflag:s30] =	ssyncadd.s32 $0xFFFFE000  }
.Ltmp0:
0xa8: {  	_ =	swait.ge [sflag:s31], $0x2000;
	(pc) =	sbr.rel @p0 .LBB2_2-.Ltmp0, $4  }
0xa9: {  	[sflag:s31] =	ssyncset.done $0x0  }
0xaa: {  	[sflag:s31] =	ssyncadd.s32 $0xFFFFE000  }
0xab: {  	_ =	swait.ge [sflag:s1], $0x2000  }
0xac: {  	s4 =	sadd.s32 $0x2000, s4;
	[sflag:s1] =	ssyncset.done $0x0  }
0xad: {  	s4 =	rddreg [dreg:$0xd]  }
0xae: {  	s0 =	rddreg [dreg:$0xc];
	s4 =	sadd.s32 $0x1, s4  }
0xaf: {  	p0 =	sne.s32 s4, s0  }
.Ltmp1:
0xb0: {  	_ = 	snop;
	(pc) =	sbr.rel @p0 .LBB2_1-.Ltmp1, $2  }
0xb1: {  	_ =	sdelay $0x2  }
0xb2: {  	[sflag:s1] =	ssyncadd.s32 $0xFFFFE000  }
0xb3: {  	_ =	sfence.sel $0x180000  }
0xb4: {  	[bflag:$0x0] =	sbarrier.arrive $0xFFFF  }
0xb5: {  	_ =	strace $0x90000047  }
0xb6: {  	s0 =	stileid.u32;
	[bflag:$0x2] =	sbarrier.arrive $0xFFFF  }
0xb7: {  	p0 =	sne.s32 s0, $0x0;
	s0 =	rddreg [dreg:$0x2]  }
0xb8: {  	s0 =	sadd.s32 @!p0 $0x100000, s0  }
0xb9: {  	[sflag:s0] =	ssyncadd.tile.s32 @!p0 $0x1;
	_ =	shalt  }
.Lfunc_end2:
_tile_overlayer_lowered:
.L_overlay_start_2:
0xba: {  	(tag) =	ssettag $0x2  }
0xbb: {  	s0 =	rddreg [dreg:$0x0];
	s2 =	stileid.u32  }
0xbc: {  	s1 =	rddreg [dreg:$0x1];
	p0 =	sne.s32 s2, $0x0  }
0xbd: {  	s3 =	rddreg [dreg:$0x2];
	[bflag:$0x3] =	sbarrier.arrive $0xFFFF;
	s2 =	simm.s32 @!p0 $0x1C11  }
0xbe: {  	[timem:s3], [sflag:s2] =	dma.local @!p0 [hbm:s0], s1  }
0xbf: {  	s0 =	simm.s32 @!p0 $0x11  }
0xc0: {  	_ =	swait.ge @!p0 [sflag:s0], s1  }
0xc1: {  	s1 =	ssub.s32 @!p0 $0x0, s1;
	[sflag:s0] =	ssyncset.done @!p0 $0x0  }
0xc2: {  	[sflag:s0] =	ssyncadd.s32 @!p0 s1  }
0xc3: {  	[bflag:$0x3] =	sbarrier.arrive $0xFFFF  }
0xc4: {  	_ =	shalt  }

// kernel: sparse-core-data-format-call.cloned.1.call-start
scs
called_computation_lowered:
.L_overlay_start_0:
0x0: {  	s2 =	sld [smem:$0x3FD9]  }
0x1: {  	s3 =	sld [smem:$0x3FFE];
	_ =	sdelay $0x1  }
0x2: {  	s1 =	srdreg.scid  }
0x3: {  	s0 =	sand.u32 $0x1, s1  }
0x4: {  	s18 =	sshll.u32 s0, $0xA;
	s2 =	sadd.s32 s3, s2  }
0x5: {  	s2 =	sadd.s32 s2, s18  }
0x6: {  	[smem:$0x3FC6] =	sst s2  }
0x7: {  	_ = 	snop  }
0x8: {  	s2 =	sld [smem:$0x3FD0];
	(tm) =	ssettm $0x1  }
0x9: {  	s19 =	sld [smem:$0x3FFB];
	_ =	sdelay $0x3  }
0xa: {  	_ =	strace s19  }
0xb: {  	s3 =	sld [smem:$0x3FFC];
	_ =	sdelay $0x3  }
0xc: {  	_ =	strace s3  }
0xd: {  	s3 =	sld [smem:$0x3FFD];
	_ =	sdelay $0x3  }
0xe: {  	_ =	strace s3  }
0xf: {  	_ =	strace $0x8FFFFFFF  }
0x10: {  	s20 =	sld [smem:$0x3FDB];
	_ =	sdelay $0x1  }
0x11: {  	s4 =	simm.s32 $_scs_section_size  }
0x12: {  	s5 =	simm.s32 $_size__tile_overlayer_lowered;
	s6 =	simm.s32 $_tile_overlayer_lowered  }
0x13: {  	s23 =	simm.s32 $0x1BFF;
	s22 =	sshll.u32 s6, $0x1;
	s3 =	sadd.s32 s4, s20  }
0x14: {  	s7 =	simm.s32 $0x0;
	s21 =	sshll.u32 s5, $0x1;
	s5 =	sadd.s32 s22, s3  }
0x15: {  	[timem:s7], [sflag:s23] =	dma.local [hbm:s5], s21  }
0x16: {  	_ =	swait.ge [sflag:s23], s21  }
0x17: {  	s4 =	ssub.s32 $0x0, s21;
	[sflag:s23] =	ssyncset.done $0x0  }
0x18: {  	[sflag:s23] =	ssyncadd.s32 s4;
	_ =	sdelay $0x1  }
0x19: {  	s24 =	simm.s32 $0x1B8B  }
0x1a: {  	_ =	swait.ge [sflag:s24], $0x1  }
0x1b: {  	[sflag:s24] =	ssyncset.done $0x0  }
0x1c: {  	s26 =	simm.s32 $0x1B8E;
	s25 =	sld [smem:$0x3FFE];
	[sflag:s24] =	ssyncadd.s32 $0xFFFFFFFF  }
0x1d: {  	s27 =	simm.s32 $execute0_lowered;
	[smem:$0x3FD2] =	sst s26  }
0x1e: {  	s5 =	sshll.u32 s27, $0x1;
	_ =	strace $0x80000049;
	[dreg:$0x1] =	wrdreg $0xFFFFFFFF  }
0x1f: {  	s28 =	simm.s32 $_size_execute0_lowered;
	s3 =	sadd.s32 s3, s5;
	[dreg:$0x0] =	wrdreg $0x0  }
0x20: {  	s5 =	sshll.u32 s28, $0x1;
	[dreg:$0x2] =	wrdreg s3  }
0x21: {  	[dreg:$0x3] =	wrdreg s5  }
0x22: {  	[dreg:$0x4] =	wrdreg $0xC0  }
0x23: {  	_ =	task [dreg:s7], $0x5FFFF  }
0x24: {  	[dreg:$0x1] =	wrdreg $0xFFFFFFFF  }
0x25: {  	[dreg:$0x0] =	wrdreg $0x60  }
0x26: {  	[dreg:$0x2] =	wrdreg s25  }
0x27: {  	[dreg:$0x3] =	wrdreg s2  }
0x28: {  	[dreg:$0x4] =	wrdreg $0x9  }
0x29: {  	_ =	task.clear_ibuf [dreg:s7], $0x5FFFF;
	_ =	strace $0x90000049  }
0x2a: {  	s29 =	simm.s32 $0x9;
	_ =	strace $0x8000004B  }
0x2b: {  	_ =	swait.ge [sflag:s29], $0x1  }
0x2c: {  	[sflag:s29] =	ssyncadd.s32 $0xFFFFFFFF  }
0x2d: {  	_ =	strace $0x9000004B  }
0x2e: {  	_ =	sfence  }
0x2f: {  	s30 =	sld [smem:$0x0];
	_ =	sdelay $0x2  }
0x30: {  	s31 =	sshll.u32 s1, $0xD;
	s1 =	sshrl.u32 s1, $0x2  }
0x31: {  	s3 =	sand.u32 $0x4000, s31;
	s1 =	sadd.s32 s1, s30  }
0x32: {  	s0 =	sor.u32 s3, s0;
	s1 =	sshll.u32 s1, $0x11  }
0x33: {  	s0 =	sor.u32 s1, s0  }
0x34: {  	s0 =	sadd.s32 $0x8F2B, s0  }
0x35: {  	[sflag:s0] =	ssyncadd.remote.s32 $0x1  }
0x36: {  	_ =	sfence.sel $0xFFFF  }
0x37: {  	[dreg:$0x0] =	wrdreg $0xFFFFFFFF;
	(pc) =	sbr.abs _section_cstart, $3  }
0x38: {  	[dreg:$0x1] =	wrdreg $0xFFFFFFFF  }
0x39: {  	_ =	task.clear_ibuf [dreg:s7], $0x2FFFF;
	_ =	strace $0x9FFFFFFF  }
0x3a: {  	(tm) =	ssettm $0x7FFFFFFF  }
0x3b: {  	_ =	shalt  }
tec
execute0_lowered:
.L_overlay_start_1:
0x0: {  	(tag) =	ssettag $0x1  }
0x1: {  	s0 =	srdreg.scid  }
0x2: {  	s1 =	sshll.u32 s0, $0x4  }
0x3: {  	s0 =	stileid.u32;
	s1 =	sand.u32 $0x10, s1  }
0x4: {  	s1 =	sor.u32 s0, s1  }
0x5: {  	s6 =	rddreg [dreg:$0x0];
	s4 =	simm.s32 $0x1;
	s2 =	sshll.u32 s1, $0x7  }
0x6: {  	s7 =	simm.s32 $0x2;
	s12 =	simm.s32 $0x0;
	s1 =	ssub.s32 $0x1000, s2  }
0x7: {  	s8 =	simm.s32 $0x8000;
	s13 =	simm.s32 $0x0;
	s3 =	sand.u32 $0xF80, s1  }
0x8: {  	s9 =	simm.s32 $0x0;
	s5 =	sshrl.u32 s1, $0xC;
	p0 =	sne.s32 s3, $0x0  }
.Ltmp0:
0x9: {  	s1 =	rddreg [dreg:$0x2];
	s4 =	simm.s32 @!p0 $0x0;
	(pc) =	sbr.rel .LBB1_1-.Ltmp0, $4  }
0xa: {  	s11 =	simm.s32 $0x0;
	s3 =	rddreg [dreg:$0x1];
	s5 =	sadd.s32 s4, s5  }
0xb: {  	_ =	strace $0x8000004A;
	s4 =	simm.s32 $0x1;
	s5 =	smul.u32 $0xC8, s5  }
0xc: {  	s6 =	sadd.s32 $0xA00, s6;
	s10 =	smov.u32 s2;
	[sflag:s4] =	ssyncpa.u1 $0x0  }
0xd: {  	p0 =	por $0x0, $0x0;
	[sflag:s7] =	ssyncpa.u1 $0x0;
	s7 =	sor.u32 $0x1, s5  }
.LBB1_4:
0xe: {  	s16 =	sshll.u32 s13, $0x3;
	s17 =	sand.u32 $0x78, s13  }
0xf: {  	s30 =	sand.u32 $0x7E00, s13;
	s12 =	sshll.u32 s12, $0xF;
	s16 =	sand.u32 $0xC00, s16  }
0x10: {  	[tilespmem:s15+$0x810 ss:$0x81] =	vst.msk $0xffff, v2;
	s31 =	sand.u32 $0x7, s13;
	s16 =	sor.u32 s17, s16;
	s17 =	sadd.s32 s3, s30  }
0x11: {  	[tilespmem:s15+$0x1020 ss:$0x81] =	vst.msk $0xffff, v0;
	s13 =	sshll.u32 s31, $0x12;
	s12 =	sadd.s32 s12, s17;
	s16 =	sshrl.u32 s16, $0x3  }
0x12: {  	[tilespmem:s15+$0x0 ss:$0x81] =	vst.msk $0xffff, v1;
	s13 =	sor.u32 $0x400, s13;
	s12 =	sadd.s32 s16, s12  }
0x13: {  	[hbm4b:s12+s13] =	stream.strided.scatter [tilespmem:s14], [sflag:$0x2], $0x2000, s8, s13, $0x20;
	[tilespmem:$0x8080] =	vst v63  }
.LBB1_5:
0x14: {  	s14 =	sadd.s32 $0x1, s9  }
0x15: {  	s12 =	sadd.s32 $0x1000, s10;
	s16 =	smov.u32 s10;
	p2 =	sgt.s32 s14, $0xC7  }
0x16: {  	s16 =	smov.u32 @p2 s12  }
0x17: {  	s14 =	simm.s32 @p2 $0x0;
	p2 =	sgt.s32 s16, $0xFFF  }
0x18: {  	s16 =	smov.u32 @p2 s2;
	p2 =	sne.s32 s11, s7  }
.Ltmp1:
0x19: {  	p1 =	slt.u32 s11, $0x2;
	(pc) =	sbr.rel @!p2 .LBB1_6-.Ltmp1, $4  }
0x1a: {  	s15 =	simm.s32 @!p1 $0x2  }
0x1b: {  	s13 =	smov.u32 s10;
	p0 =	por !p0, !p0;
	_ =	swait.ge @!p1 [sflag:s15], $0x2000  }
0x1c: {  	s12 =	smov.u32 s9;
	[sflag:s15] =	ssyncset.done @!p1 $0x0;
	s9 =	smov.u32 s14  }
0x1d: {  	s11 =	sadd.s32 $0x1, s11;
	[sflag:s15] =	ssyncadd.s32 @!p1 $0xFFFFE000;
	s10 =	smov.u32 s16  }
.LBB1_1:
0x1e: {  	p1 =	sge.u32 s11, s5  }
0x1f: {  	s14 =	sand.u32 @!p1 $0x1FFFFFF, s9  }
0x20: {  	s15 =	smulhi.u32 @!p1 $0x147AE15, s14;
	_ =	sdelay $0x1  }
0x21: {  	s15 =	smul.u32 @!p1 $0xC8, s15  }
0x22: {  	s16 =	sxor.u32 @!p1 $0xFFFFFFFF, s11;
	s17 =	smul.u32 @!p1 $0xC80, s10  }
0x23: {  	s31 =	sadd.s32 $0xFFFFFFFF, s11;
	s16 =	sshll.u32 @!p1 s16, $0xD;
	s14 =	ssub.s32 @!p1 s14, s15  }
0x24: {  	s15 =	sand.u32 @!p1 $0x2000, s16;
	s16 =	sadd.s32 @!p1 s6, s17;
	s14 =	sshll.u32 @!p1 s14, $0x4  }
0x25: {  	s17 =	simm.s32 @!p1 $0x6400;
	s14 =	sadd.s32 @!p1 s14, s16;
	s16 =	simm.s32 @!p1 $0x40  }
0x26: {  	[tilespmem:s15], [sflag:$0x1] =	stream.strided.gather @!p1 [hbm4b:s14+s16], $0x2000, s17, s16, $0x38;
	[tilespmem:$0x8080] =	vst v63  }
0x27: {  	p1 =	sge.u32 s31, s5  }
.Ltmp2:
0x28: {  	_ = 	snop;
	(pc) =	sbr.rel @p1 .LBB1_5-.Ltmp2, $1  }
0x29: {  	_ =	sdelay $0x3  }
0x2a: {  	s14 =	simm.s32 $0x1  }
0x2b: {  	_ =	swait.ge [sflag:s4], $0x2000;
	s14 =	simm.s32 @!p0 $0x0  }
0x2c: {  	[sflag:s4] =	ssyncset.done $0x0;
	s15 =	sshll.u32 s14, $0xD  }
0x2d: {  	[sflag:s4] =	ssyncadd.s32 $0xFFFFE000;
	s18 =	sor.u32 $0x20, s15  }
0x2e: {  	s14 =	smul.u32 $0x8100, s14;
	v3 =	vld [tilespmem:s18+$0x10]  }
0x2f: {  	s30 =	sand.u32 $0x1, s11;
	v2 =	vld [tilespmem:s18+$0xFFFFFFF0]  }
0x30: {  	s15 =	smul.u32 $0x8100, s30;
	s14 =	sshrl.u32 s14, $0x2;
	v0 =	vld [tilespmem:s18+$0x0]  }
0x31: {  	v1 =	vld [tilespmem:s18+$0xFFFFFFE0];
	s16 =	sor.u32 $0x4000, s14  }
0x32: {  	s31 =	sshrl.u32 s15, $0x2;
	s15 =	sadd.s32 $0x0, s16  }
0x33: {  	s17 =	simm.s32 $0x4;
	s18 =	sadd.s32 $0x40, s18;
	s14 =	sor.u32 $0x4000, s31;
	[tilespmem:s15+$0x1830 ss:$0x81] =	vst.msk $0xffff, v3  }
.LBB1_3:
0x34: {  	v3 =	vld [tilespmem:s18+$0x10];
	p1 =	sne.s32 s17, $0x1FC;
	[tilespmem:s15+$0x810 ss:$0x81] =	vst.msk $0xffff, v2;
	s19 =	smov.u32 s17;
	s17 =	sadd.s32 $0x4, s17  }
.Ltmp3:
0x35: {  	v2 =	vld [tilespmem:s18+$0xFFFFFFF0];
	[tilespmem:s15+$0x1020 ss:$0x81] =	vst.msk $0xffff, v0;
	(pc) =	sbr.rel @p1 .LBB1_3-.Ltmp3, $4  }
0x36: {  	v0 =	vld [tilespmem:s18+$0x0];
	[tilespmem:s15+$0x0 ss:$0x81] =	vst.msk $0xffff, v1  }
0x37: {  	s15 =	sshra.s32 s19, $0x2;
	v1 =	vld [tilespmem:s18+$0xFFFFFFE0]  }
0x38: {  	s15 =	sadd.s32 s15, s16  }
0x39: {  	s18 =	sadd.s32 $0x40, s18;
	[tilespmem:s15+$0x1830 ss:$0x81] =	vst.msk $0xffff, v3  }
.Ltmp4:
0x3a: {  	_ = 	snop;
	(pc) =	sbr.rel .LBB1_4-.Ltmp4, $1  }
0x3b: {  	_ =	sdelay $0x3  }
.LBB1_6:
0x3c: {  	_ =	sfence.sel $0x180000  }
0x3d: {  	s2 =	simm.s32 $0x1;
	[bflag:$0x0] =	sbarrier.arrive $0xFFFF  }
0x3e: {  	s31 =	simm.s32 $0x2;
	[sflag:s2] =	ssyncpa.u1 $0x1  }
0x3f: {  	[sflag:s31] =	ssyncpa.u1 $0x1  }
0x40: {  	p0 =	sne.s32 s0, $0x0;
	_ =	strace $0x9000004A  }
0x41: {  	s0 =	sadd.s32 @!p0 $0x100000, s1;
	[bflag:$0x2] =	sbarrier.arrive $0xFFFF  }
0x42: {  	[sflag:s0] =	ssyncadd.tile.s32 @!p0 $0x1;
	_ =	shalt  }
.Lfunc_end1:
_tile_overlayer_lowered:
.L_overlay_start_2:
0x43: {  	(tag) =	ssettag $0x2  }
0x44: {  	s0 =	rddreg [dreg:$0x0];
	s2 =	stileid.u32  }
0x45: {  	s1 =	rddreg [dreg:$0x1];
	p0 =	sne.s32 s2, $0x0  }
0x46: {  	s3 =	rddreg [dreg:$0x2];
	[bflag:$0x3] =	sbarrier.arrive $0xFFFF;
	s2 =	simm.s32 @!p0 $0x1C01  }
0x47: {  	[timem:s3], [sflag:s2] =	dma.local @!p0 [hbm:s0], s1  }
0x48: {  	s0 =	simm.s32 @!p0 $0x1  }
0x49: {  	_ =	swait.ge @!p0 [sflag:s0], s1  }
0x4a: {  	s1 =	ssub.s32 @!p0 $0x0, s1;
	[sflag:s0] =	ssyncset.done @!p0 $0x0  }
0x4b: {  	[sflag:s0] =	ssyncadd.s32 @!p0 s1  }
0x4c: {  	[bflag:$0x3] =	sbarrier.arrive $0xFFFF  }
0x4d: {  	_ =	shalt  }

</sc_bundles>
